<compile_context>
chip_gen: v7x
topology: tpu7x:2x2x1
jax: 0.10.2.dev20260603
libtpu: 0.0.44.dev20260713+nightly
codegen_flags: <defaults>
</compile_context>

<pallas_src>
import functools

import jax
import jax.numpy as jnp
from jax import lax
from jax.experimental import pallas as pl
from jax.experimental.pallas import tpu as pltpu
from jax.experimental.pallas import tpu_sc as plsc


def _proj_body(x_ref, wr_ref, ws_ref, xr_ref, xs_ref):
    xb = x_ref[...]
    xr_ref[...] = jnp.dot(xb, wr_ref[...], preferred_element_type=jnp.float32)
    xs_ref[...] = jnp.dot(xb, ws_ref[...], preferred_element_type=jnp.float32)


def _eb_body(ea_t_ref, we_ref, b_ref, eb_ref):
    eb_ref[...] = (
        lax.dot_general(
            ea_t_ref[...], we_ref[...], (((0,), (0,)), ((), ())),
            preferred_element_type=jnp.float32,
        )
        + b_ref[...]
    )


def kernel(x, edge_attr, W, b, edge_index):
    N, F = x.shape
    E, DE = edge_attr.shape
    DO = W.shape[1]

    We = W[:DE]
    Wr = W[DE : DE + F]
    Ws = W[DE + F :]
    idx = edge_index.astype(jnp.int32)
    idx_r = idx[0]
    idx_s = idx[1]
    b2 = b.reshape(1, DO)
    ea_t = edge_attr.T

    BN = 1000
    xr, xs = pl.pallas_call(
        _proj_body,
        grid=(N // BN,),
        in_specs=[
            pl.BlockSpec((BN, F), lambda i: (i, 0)),
            pl.BlockSpec((F, DO), lambda i: (0, 0)),
            pl.BlockSpec((F, DO), lambda i: (0, 0)),
        ],
        out_specs=[
            pl.BlockSpec((BN, DO), lambda i: (i, 0)),
            pl.BlockSpec((BN, DO), lambda i: (i, 0)),
        ],
        out_shape=[
            jax.ShapeDtypeStruct((N, DO), jnp.float32),
            jax.ShapeDtypeStruct((N, DO), jnp.float32),
        ],
    )(x, Wr, Ws)

    BE = 16000
    eb = pl.pallas_call(
        _eb_body,
        grid=(E // BE,),
        in_specs=[
            pl.BlockSpec((DE, BE), lambda i: (0, i)),
            pl.BlockSpec((DE, DO), lambda i: (0, 0)),
            pl.BlockSpec((1, DO), lambda i: (0, 0)),
        ],
        out_specs=pl.BlockSpec((BE, DO), lambda i: (i, 0)),
        out_shape=jax.ShapeDtypeStruct((E, DO), jnp.float32),
    )(ea_t, We, b2)

    info = plsc.get_sparse_core_info()
    NC, NS = info.num_cores, info.num_subcores
    NW = NC * NS
    per_w = E // NW
    C = 384
    n_full = per_w // C
    rem = per_w - n_full * C
    n_pairs = n_full // 2
    odd_tail = n_full - 2 * n_pairs

    mesh = plsc.VectorSubcoreMesh(core_axis_name="c", subcore_axis_name="s")

    @functools.partial(
        pl.kernel,
        mesh=mesh,
        out_type=jax.ShapeDtypeStruct((E, DO), jnp.float32),
        scratch_types=[
            pltpu.VMEM((C,), jnp.int32),
            pltpu.VMEM((C,), jnp.int32),
            pltpu.VMEM((C, DO), jnp.float32),
            pltpu.VMEM((C,), jnp.int32),
            pltpu.VMEM((C,), jnp.int32),
            pltpu.VMEM((C, DO), jnp.float32),
            pltpu.VMEM((max(rem, 8),), jnp.int32),
            pltpu.VMEM((max(rem, 8),), jnp.int32),
            pltpu.VMEM((max(rem, 8), DO), jnp.float32),
            pltpu.SemaphoreType.DMA,
            pltpu.SemaphoreType.DMA,
            pltpu.SemaphoreType.DMA,
            pltpu.SemaphoreType.DMA,
            pltpu.SemaphoreType.DMA,
        ],
    )
    def _sc_combine(
        idx_r_hbm, idx_s_hbm, xr_hbm, xs_hbm, eb_hbm, out_hbm,
        idxr0, idxs0, acc0, idxr1, idxs1, acc1, idxr_t, idxs_t, acc_t,
        lsem0, lsem1, osem0, osem1, gsem,
    ):
        wid = lax.axis_index("s") * NC + lax.axis_index("c")
        w_base = wid * per_w
        idxr = (idxr0, idxr1)
        idxs = (idxs0, idxs1)
        acc = (acc0, acc1)
        lsem = (lsem0, lsem1)
        osem = (osem0, osem1)

        def loads(ci, slot):
            base = w_base + ci * C
            return (
                pltpu.make_async_copy(
                    idx_r_hbm.at[pl.ds(base, C)], idxr[slot], lsem[slot]),
                pltpu.make_async_copy(
                    idx_s_hbm.at[pl.ds(base, C)], idxs[slot], lsem[slot]),
                pltpu.make_async_copy(
                    eb_hbm.at[pl.ds(base, C)], acc[slot], lsem[slot]),
            )

        def store(ci, slot):
            base = w_base + ci * C
            return pltpu.make_async_copy(
                acc[slot], out_hbm.at[pl.ds(base, C)], osem[slot])

        def issue(descs):
            for d in descs:
                d.start()

        def chunk_step(ci, slot):
            @pl.when(ci >= 1)
            def _():
                store(ci - 1, 1 - slot).wait()

            @pl.when(ci + 1 < n_full)
            def _():
                issue(loads(ci + 1, 1 - slot))

            descs = []
            for lo in (0, C // 3, 2 * (C // 3)):
                sl = pl.ds(lo, C // 3)
                descs.append(pltpu.async_copy(
                    xr_hbm.at[idxr[slot].at[sl]], acc[slot].at[sl], gsem,
                    add=True))
                descs.append(pltpu.async_copy(
                    xs_hbm.at[idxs[slot].at[sl]], acc[slot].at[sl], gsem,
                    add=True))
            for d in descs:
                d.wait()
            store(ci, slot).start()

        issue(loads(0, 0))

        def pair_body(p, carry):
            for b in range(2):
                ci = 2 * p + b
                for d in loads(ci, b):
                    d.wait()
                chunk_step(ci, b)
            return carry

        lax.fori_loop(0, n_pairs, pair_body, 0)

        if odd_tail:
            ci = 2 * n_pairs
            for d in loads(ci, 0):
                d.wait()
            chunk_step(ci, 0)

        last = n_full - 1
        store(last, last % 2).wait()

        if rem:
            base = w_base + n_full * C
            pltpu.sync_copy(idx_r_hbm.at[pl.ds(base, rem)], idxr_t)
            pltpu.sync_copy(idx_s_hbm.at[pl.ds(base, rem)], idxs_t)
            pltpu.sync_copy(eb_hbm.at[pl.ds(base, rem)], acc_t)
            d1 = pltpu.async_copy(xr_hbm.at[idxr_t], acc_t, gsem, add=True)
            d2 = pltpu.async_copy(xs_hbm.at[idxs_t], acc_t, gsem, add=True)
            d1.wait()
            d2.wait()
            pltpu.sync_copy(acc_t, out_hbm.at[pl.ds(base, rem)])

    return _sc_combine(idx_r, idx_s, xr, xs, eb)

# --- scband reference (transcript-rebuilt; emitter-appended) ---
"""Pipeline reference for scband-edge-block-71425306132749 (READ-ONLY COPY).

The authoritative reference and input builder live on the scoring server;
editing this copy changes nothing except your own understanding.
"""

import jax, jax.numpy as jnp
import numpy as np

N_NODES = 10000
N_EDGES = 320000
D_FEAT = 128
D_EDGE = 16
D_IN = D_EDGE + 2 * D_FEAT  # [edata, receiver, sender]
D_OUT = 128


def setup_inputs(seed: int = 0) -> dict:
    key = jax.random.key(seed)
    k1, k2, k3, k4, k5 = jax.random.split(key, 5)
    x = jax.random.normal(k1, (N_NODES, D_FEAT), dtype=jnp.float32)
    edge_index = jax.random.randint(k2, (2, N_EDGES), 0, N_NODES, dtype=jnp.int64)
    edge_attr = jax.random.normal(k3, (N_EDGES, D_EDGE), dtype=jnp.float32)
    # Edge updater parameters (nn.Linear(D_IN, D_OUT) for the single edge type)
    W = jax.random.normal(k4, (D_IN, D_OUT), dtype=jnp.float32) * (1.0 / np.sqrt(D_IN))
    b = jax.random.normal(k5, (D_OUT,), dtype=jnp.float32) * 0.01
    return {"x": x, "edge_attr": edge_attr, "W": W, "b": b, "edge_index": edge_index}


def reference(x, edge_attr, W, b, edge_index):
    # EdgeBlock (non-independent, single edge type, single graph, no context):
    # per-edge input = concat([edge_data, receiver_vertex, sender_vertex])
    recv = jnp.take(x, edge_index[0], axis=0)   # receiver features, gather
    send = jnp.take(x, edge_index[1], axis=0)   # sender features, gather
    updater_input = jnp.concatenate([edge_attr, recv, send], axis=1)  # [E, D_EDGE+2*D_FEAT]
    # updater (Linear) applied to all edges of this edge type
    out = updater_input @ W + b  # [E, D_OUT]
    return out

if __name__ == "__main__":
    import jax
    _d = setup_inputs()
    print(jax.jit(kernel)(*tuple(_d.values())))

</pallas_src>

<mosaic_0001>
#map = affine_map<(d0, d1) -> (0)>
#map1 = affine_map<(d0, d1) -> (0, 0)>
module attributes {stable_mosaic.version = 14 : i64} {
  func.func @_sc_combine(%arg0: i32, %arg1: i32, %arg2: memref<320000xi32, #tpu.memory_space<hbm>>, %arg3: memref<320000xi32, #tpu.memory_space<hbm>>, %arg4: memref<10000x128xf32, #tpu.memory_space<hbm>>, %arg5: memref<10000x128xf32, #tpu.memory_space<hbm>>, %arg6: memref<320000x128xf32, #tpu.memory_space<hbm>>, %arg7: memref<320000x128xf32, #tpu.memory_space<hbm>>, %arg8: memref<384xi32, #tpu.memory_space<vmem>>, %arg9: memref<384xi32, #tpu.memory_space<vmem>>, %arg10: memref<384x128xf32, #tpu.memory_space<vmem>>, %arg11: memref<384xi32, #tpu.memory_space<vmem>>, %arg12: memref<384xi32, #tpu.memory_space<vmem>>, %arg13: memref<384x128xf32, #tpu.memory_space<vmem>>, %arg14: memref<16xi32, #tpu.memory_space<vmem>>, %arg15: memref<16xi32, #tpu.memory_space<vmem>>, %arg16: memref<16x128xf32, #tpu.memory_space<vmem>>, %arg17: memref<!tpu.dma_semaphore, #tpu.memory_space<semaphore_mem>>, %arg18: memref<!tpu.dma_semaphore, #tpu.memory_space<semaphore_mem>>, %arg19: memref<!tpu.dma_semaphore, #tpu.memory_space<semaphore_mem>>, %arg20: memref<!tpu.dma_semaphore, #tpu.memory_space<semaphore_mem>>, %arg21: memref<!tpu.dma_semaphore, #tpu.memory_space<semaphore_mem>>) attributes {dimension_semantics = [#tpu.dimension_semantics<core_parallel>, #tpu.dimension_semantics<subcore_parallel>], iteration_bounds = array<i64: 2, 16>, scalar_prefetch = 0 : i64, scratch_operands = 14 : i64, tpu.core_type = #tpu.core_type<sc_vector_subcore>, window_params = [{transform_indices = #map}, {transform_indices = #map}, {transform_indices = #map1}, {transform_indices = #map1}, {transform_indices = #map1}, {transform_indices = #map1}]} {
    %mul3A = arith.constant 2 : i32
    %mul3A_0 = arith.muli %arg1, %mul3A : i32
    %add3A = arith.addi %mul3A_0, %arg0 : i32
    %mul3A_1 = arith.constant 10000 : i32
    %mul3A_2 = arith.muli %add3A, %mul3A_1 : i32
    %add3A_3 = arith.constant 0 : i32
    %add3A_4 = arith.addi %mul3A_2, %add3A_3 : i32
    %dma_start3A = tpu.memref_slice %arg2[%add3A_4] : memref<320000xi32, #tpu.memory_space<hbm>> -> memref<384xi32, #tpu.memory_space<hbm>>
    %dma_start3A_5 = tpu.memref_slice %arg2[%add3A_4] : memref<320000xi32, #tpu.memory_space<hbm>> -> memref<384xi32, #tpu.memory_space<hbm>>
    tpu.enqueue_dma source(%dma_start3A_5 : memref<384xi32, #tpu.memory_space<hbm>>) target(%arg8 : memref<384xi32, #tpu.memory_space<vmem>>) target_semaphore(%arg17 : memref<!tpu.dma_semaphore, #tpu.memory_space<semaphore_mem>>)
    %dma_start3A_6 = tpu.memref_slice %arg3[%add3A_4] : memref<320000xi32, #tpu.memory_space<hbm>> -> memref<384xi32, #tpu.memory_space<hbm>>
    %dma_start3A_7 = tpu.memref_slice %arg3[%add3A_4] : memref<320000xi32, #tpu.memory_space<hbm>> -> memref<384xi32, #tpu.memory_space<hbm>>
    tpu.enqueue_dma source(%dma_start3A_7 : memref<384xi32, #tpu.memory_space<hbm>>) target(%arg9 : memref<384xi32, #tpu.memory_space<vmem>>) target_semaphore(%arg17 : memref<!tpu.dma_semaphore, #tpu.memory_space<semaphore_mem>>)
    %dma_start3A_8 = arith.constant 0 : i32
    %dma_start3A_9 = tpu.memref_slice %arg6[%add3A_4, %dma_start3A_8] : memref<320000x128xf32, #tpu.memory_space<hbm>> -> memref<384x128xf32, #tpu.memory_space<hbm>>
    %dma_start3A_10 = arith.constant 0 : i32
    %dma_start3A_11 = tpu.memref_slice %arg6[%add3A_4, %dma_start3A_10] : memref<320000x128xf32, #tpu.memory_space<hbm>> -> memref<384x128xf32, #tpu.memory_space<hbm>>
    tpu.enqueue_dma source(%dma_start3A_11 : memref<384x128xf32, #tpu.memory_space<hbm>>) target(%arg10 : memref<384x128xf32, #tpu.memory_space<vmem>>) target_semaphore(%arg17 : memref<!tpu.dma_semaphore, #tpu.memory_space<semaphore_mem>>)
    %scan3A = arith.constant 0 : i32
    %scan3A_12 = arith.constant 0 : i32
    %scan3A_13 = arith.constant 13 : i32
    %scan3A_14 = arith.addi %scan3A_12, %scan3A_13 : i32
    %scan3A_15 = arith.constant 1 : i32
    scf.for %scan3A_36 = %scan3A_12 to %scan3A_14 step %scan3A_15  : i32 {
      %mul3A_37 = arith.constant 2 : i32
      %mul3A_38 = arith.muli %mul3A_37, %scan3A_36 : i32
      %add3A_39 = arith.constant 0 : i32
      %add3A_40 = arith.addi %mul3A_38, %add3A_39 : i32
      %mul3A_41 = arith.constant 384 : i32
      %mul3A_42 = arith.muli %add3A_40, %mul3A_41 : i32
      %add3A_43 = arith.addi %mul3A_2, %mul3A_42 : i32
      %dma_wait3A_44 = tpu.memref_slice %arg2[%add3A_43] : memref<320000xi32, #tpu.memory_space<hbm>> -> memref<384xi32, #tpu.memory_space<hbm>>
      %dma_wait3A_45 = tpu.memref_slice %arg2[%add3A_43] : memref<320000xi32, #tpu.memory_space<hbm>> -> memref<384xi32, #tpu.memory_space<hbm>>
      tpu.wait_dma2 semaphore(%arg17 : memref<!tpu.dma_semaphore, #tpu.memory_space<semaphore_mem>>) src(%dma_wait3A_45 : memref<384xi32, #tpu.memory_space<hbm>>) dst(%arg8 : memref<384xi32, #tpu.memory_space<vmem>>)
      %dma_wait3A_46 = tpu.memref_slice %arg3[%add3A_43] : memref<320000xi32, #tpu.memory_space<hbm>> -> memref<384xi32, #tpu.memory_space<hbm>>
      %dma_wait3A_47 = tpu.memref_slice %arg3[%add3A_43] : memref<320000xi32, #tpu.memory_space<hbm>> -> memref<384xi32, #tpu.memory_space<hbm>>
      tpu.wait_dma2 semaphore(%arg17 : memref<!tpu.dma_semaphore, #tpu.memory_space<semaphore_mem>>) src(%dma_wait3A_47 : memref<384xi32, #tpu.memory_space<hbm>>) dst(%arg9 : memref<384xi32, #tpu.memory_space<vmem>>)
      %dma_wait3A_48 = arith.constant 0 : i32
      %dma_wait3A_49 = tpu.memref_slice %arg6[%add3A_43, %dma_wait3A_48] : memref<320000x128xf32, #tpu.memory_space<hbm>> -> memref<384x128xf32, #tpu.memory_space<hbm>>
      %dma_wait3A_50 = arith.constant 0 : i32
      %dma_wait3A_51 = tpu.memref_slice %arg6[%add3A_43, %dma_wait3A_50] : memref<320000x128xf32, #tpu.memory_space<hbm>> -> memref<384x128xf32, #tpu.memory_space<hbm>>
      tpu.wait_dma2 semaphore(%arg17 : memref<!tpu.dma_semaphore, #tpu.memory_space<semaphore_mem>>) src(%dma_wait3A_51 : memref<384x128xf32, #tpu.memory_space<hbm>>) dst(%arg10 : memref<384x128xf32, #tpu.memory_space<vmem>>)
      %ge3A = arith.constant 1 : i32
      %ge3A_52 = arith.cmpi sge, %add3A_40, %ge3A : i32
      %convert_element_type3A = arith.extui %ge3A_52 : i1 to i32
      %cond3A = arith.constant 0 : i32
      %cond3A_53 = arith.cmpi ne, %convert_element_type3A, %cond3A : i32
      scf.if %cond3A_53 {
        %sub3A = arith.constant 1 : i32
        %sub3A_293 = arith.subi %add3A_40, %sub3A : i32
        %mul3A_294 = arith.constant 384 : i32
        %mul3A_295 = arith.muli %sub3A_293, %mul3A_294 : i32
        %add3A_296 = arith.addi %mul3A_2, %mul3A_295 : i32
        %dma_wait3A_297 = arith.constant 0 : i32
        %dma_wait3A_298 = tpu.memref_slice %arg7[%add3A_296, %dma_wait3A_297] : memref<320000x128xf32, #tpu.memory_space<hbm>> -> memref<384x128xf32, #tpu.memory_space<hbm>>
        %dma_wait3A_299 = arith.constant 0 : i32
        %dma_wait3A_300 = tpu.memref_slice %arg7[%add3A_296, %dma_wait3A_299] : memref<320000x128xf32, #tpu.memory_space<hbm>> -> memref<384x128xf32, #tpu.memory_space<hbm>>
        tpu.wait_dma2 semaphore(%arg20 : memref<!tpu.dma_semaphore, #tpu.memory_space<semaphore_mem>>) src(%arg13 : memref<384x128xf32, #tpu.memory_space<vmem>>) dst(%dma_wait3A_300 : memref<384x128xf32, #tpu.memory_space<hbm>>)
      } else {
      }
      %add3A_54 = arith.constant 1 : i32
      %add3A_55 = arith.addi %add3A_40, %add3A_54 : i32
      %lt3A = arith.constant 26 : i32
      %lt3A_56 = arith.cmpi slt, %add3A_55, %lt3A : i32
      %convert_element_type3A_57 = arith.extui %lt3A_56 : i1 to i32
      %cond3A_58 = arith.constant 0 : i32
      %cond3A_59 = arith.cmpi ne, %convert_element_type3A_57, %cond3A_58 : i32
      scf.if %cond3A_59 {
        %add3A_293 = arith.constant 1 : i32
        %add3A_294 = arith.addi %add3A_40, %add3A_293 : i32
        %mul3A_295 = arith.constant 384 : i32
        %mul3A_296 = arith.muli %add3A_294, %mul3A_295 : i32
        %add3A_297 = arith.addi %mul3A_2, %mul3A_296 : i32
        %dma_start3A_298 = tpu.memref_slice %arg2[%add3A_297] : memref<320000xi32, #tpu.memory_space<hbm>> -> memref<384xi32, #tpu.memory_space<hbm>>
        %dma_start3A_299 = tpu.memref_slice %arg2[%add3A_297] : memref<320000xi32, #tpu.memory_space<hbm>> -> memref<384xi32, #tpu.memory_space<hbm>>
        tpu.enqueue_dma source(%dma_start3A_299 : memref<384xi32, #tpu.memory_space<hbm>>) target(%arg11 : memref<384xi32, #tpu.memory_space<vmem>>) target_semaphore(%arg18 : memref<!tpu.dma_semaphore, #tpu.memory_space<semaphore_mem>>)
        %dma_start3A_300 = tpu.memref_slice %arg3[%add3A_297] : memref<320000xi32, #tpu.memory_space<hbm>> -> memref<384xi32, #tpu.memory_space<hbm>>
        %dma_start3A_301 = tpu.memref_slice %arg3[%add3A_297] : memref<320000xi32, #tpu.memory_space<hbm>> -> memref<384xi32, #tpu.memory_space<hbm>>
        tpu.enqueue_dma source(%dma_start3A_301 : memref<384xi32, #tpu.memory_space<hbm>>) target(%arg12 : memref<384xi32, #tpu.memory_space<vmem>>) target_semaphore(%arg18 : memref<!tpu.dma_semaphore, #tpu.memory_space<semaphore_mem>>)
        %dma_start3A_302 = arith.constant 0 : i32
        %dma_start3A_303 = tpu.memref_slice %arg6[%add3A_297, %dma_start3A_302] : memref<320000x128xf32, #tpu.memory_space<hbm>> -> memref<384x128xf32, #tpu.memory_space<hbm>>
        %dma_start3A_304 = arith.constant 0 : i32
        %dma_start3A_305 = tpu.memref_slice %arg6[%add3A_297, %dma_start3A_304] : memref<320000x128xf32, #tpu.memory_space<hbm>> -> memref<384x128xf32, #tpu.memory_space<hbm>>
        tpu.enqueue_dma source(%dma_start3A_305 : memref<384x128xf32, #tpu.memory_space<hbm>>) target(%arg13 : memref<384x128xf32, #tpu.memory_space<vmem>>) target_semaphore(%arg18 : memref<!tpu.dma_semaphore, #tpu.memory_space<semaphore_mem>>)
      } else {
      }
      %dma_start3A_60 = arith.constant 0 : i32
      %dma_start3A_61 = arith.constant 0 : i32
      %dma_start3A_62 = tpu.memref_slice %arg10[%dma_start3A_60, %dma_start3A_61] : memref<384x128xf32, #tpu.memory_space<vmem>> -> memref<128x128xf32, #tpu.memory_space<vmem>>
      %dma_start3A_63 = arith.constant 0 : i32
      %dma_start3A_64 = tpu.memref_slice %arg8[%dma_start3A_63] : memref<384xi32, #tpu.memory_space<vmem>> -> memref<128xi32, #tpu.memory_space<vmem>>
      %dma_start3A_65 = arith.constant 0 : i32
      %dma_start3A_66 = arith.constant 0 : i32
      %dma_start3A_67 = tpu.memref_slice %arg4[%dma_start3A_65, %dma_start3A_66] : memref<10000x128xf32, #tpu.memory_space<hbm>> -> memref<10000x128xf32, #tpu.memory_space<hbm>>
      tpu.enqueue_indirect_dma source(%dma_start3A_67 : memref<10000x128xf32, #tpu.memory_space<hbm>>) target(%dma_start3A_62 : memref<128x128xf32, #tpu.memory_space<vmem>>) offsets(%dma_start3A_64 : memref<128xi32, #tpu.memory_space<vmem>>) semaphore(%arg21 : memref<!tpu.dma_semaphore, #tpu.memory_space<semaphore_mem>>) {add = true}
      %dma_start3A_68 = arith.constant 0 : i32
      %dma_start3A_69 = arith.constant 0 : i32
      %dma_start3A_70 = tpu.memref_slice %arg10[%dma_start3A_68, %dma_start3A_69] : memref<384x128xf32, #tpu.memory_space<vmem>> -> memref<128x128xf32, #tpu.memory_space<vmem>>
      %dma_start3A_71 = arith.constant 0 : i32
      %dma_start3A_72 = tpu.memref_slice %arg9[%dma_start3A_71] : memref<384xi32, #tpu.memory_space<vmem>> -> memref<128xi32, #tpu.memory_space<vmem>>
      %dma_start3A_73 = arith.constant 0 : i32
      %dma_start3A_74 = arith.constant 0 : i32
      %dma_start3A_75 = tpu.memref_slice %arg5[%dma_start3A_73, %dma_start3A_74] : memref<10000x128xf32, #tpu.memory_space<hbm>> -> memref<10000x128xf32, #tpu.memory_space<hbm>>
      tpu.enqueue_indirect_dma source(%dma_start3A_75 : memref<10000x128xf32, #tpu.memory_space<hbm>>) target(%dma_start3A_70 : memref<128x128xf32, #tpu.memory_space<vmem>>) offsets(%dma_start3A_72 : memref<128xi32, #tpu.memory_space<vmem>>) semaphore(%arg21 : memref<!tpu.dma_semaphore, #tpu.memory_space<semaphore_mem>>) {add = true}
      %dma_start3A_76 = arith.constant 128 : i32
      %dma_start3A_77 = arith.constant 0 : i32
      %dma_start3A_78 = tpu.memref_slice %arg10[%dma_start3A_76, %dma_start3A_77] : memref<384x128xf32, #tpu.memory_space<vmem>> -> memref<128x128xf32, #tpu.memory_space<vmem>>
      %dma_start3A_79 = arith.constant 128 : i32
      %dma_start3A_80 = tpu.memref_slice %arg8[%dma_start3A_79] : memref<384xi32, #tpu.memory_space<vmem>> -> memref<128xi32, #tpu.memory_space<vmem>>
      %dma_start3A_81 = arith.constant 0 : i32
      %dma_start3A_82 = arith.constant 0 : i32
      %dma_start3A_83 = tpu.memref_slice %arg4[%dma_start3A_81, %dma_start3A_82] : memref<10000x128xf32, #tpu.memory_space<hbm>> -> memref<10000x128xf32, #tpu.memory_space<hbm>>
      tpu.enqueue_indirect_dma source(%dma_start3A_83 : memref<10000x128xf32, #tpu.memory_space<hbm>>) target(%dma_start3A_78 : memref<128x128xf32, #tpu.memory_space<vmem>>) offsets(%dma_start3A_80 : memref<128xi32, #tpu.memory_space<vmem>>) semaphore(%arg21 : memref<!tpu.dma_semaphore, #tpu.memory_space<semaphore_mem>>) {add = true}
      %dma_start3A_84 = arith.constant 128 : i32
      %dma_start3A_85 = arith.constant 0 : i32
      %dma_start3A_86 = tpu.memref_slice %arg10[%dma_start3A_84, %dma_start3A_85] : memref<384x128xf32, #tpu.memory_space<vmem>> -> memref<128x128xf32, #tpu.memory_space<vmem>>
      %dma_start3A_87 = arith.constant 128 : i32
      %dma_start3A_88 = tpu.memref_slice %arg9[%dma_start3A_87] : memref<384xi32, #tpu.memory_space<vmem>> -> memref<128xi32, #tpu.memory_space<vmem>>
      %dma_start3A_89 = arith.constant 0 : i32
      %dma_start3A_90 = arith.constant 0 : i32
      %dma_start3A_91 = tpu.memref_slice %arg5[%dma_start3A_89, %dma_start3A_90] : memref<10000x128xf32, #tpu.memory_space<hbm>> -> memref<10000x128xf32, #tpu.memory_space<hbm>>
      tpu.enqueue_indirect_dma source(%dma_start3A_91 : memref<10000x128xf32, #tpu.memory_space<hbm>>) target(%dma_start3A_86 : memref<128x128xf32, #tpu.memory_space<vmem>>) offsets(%dma_start3A_88 : memref<128xi32, #tpu.memory_space<vmem>>) semaphore(%arg21 : memref<!tpu.dma_semaphore, #tpu.memory_space<semaphore_mem>>) {add = true}
      %dma_start3A_92 = arith.constant 256 : i32
      %dma_start3A_93 = arith.constant 0 : i32
      %dma_start3A_94 = tpu.memref_slice %arg10[%dma_start3A_92, %dma_start3A_93] : memref<384x128xf32, #tpu.memory_space<vmem>> -> memref<128x128xf32, #tpu.memory_space<vmem>>
      %dma_start3A_95 = arith.constant 256 : i32
      %dma_start3A_96 = tpu.memref_slice %arg8[%dma_start3A_95] : memref<384xi32, #tpu.memory_space<vmem>> -> memref<128xi32, #tpu.memory_space<vmem>>
      %dma_start3A_97 = arith.constant 0 : i32
      %dma_start3A_98 = arith.constant 0 : i32
      %dma_start3A_99 = tpu.memref_slice %arg4[%dma_start3A_97, %dma_start3A_98] : memref<10000x128xf32, #tpu.memory_space<hbm>> -> memref<10000x128xf32, #tpu.memory_space<hbm>>
      tpu.enqueue_indirect_dma source(%dma_start3A_99 : memref<10000x128xf32, #tpu.memory_space<hbm>>) target(%dma_start3A_94 : memref<128x128xf32, #tpu.memory_space<vmem>>) offsets(%dma_start3A_96 : memref<128xi32, #tpu.memory_space<vmem>>) semaphore(%arg21 : memref<!tpu.dma_semaphore, #tpu.memory_space<semaphore_mem>>) {add = true}
      %dma_start3A_100 = arith.constant 256 : i32
      %dma_start3A_101 = arith.constant 0 : i32
      %dma_start3A_102 = tpu.memref_slice %arg10[%dma_start3A_100, %dma_start3A_101] : memref<384x128xf32, #tpu.memory_space<vmem>> -> memref<128x128xf32, #tpu.memory_space<vmem>>
      %dma_start3A_103 = arith.constant 256 : i32
      %dma_start3A_104 = tpu.memref_slice %arg9[%dma_start3A_103] : memref<384xi32, #tpu.memory_space<vmem>> -> memref<128xi32, #tpu.memory_space<vmem>>
      %dma_start3A_105 = arith.constant 0 : i32
      %dma_start3A_106 = arith.constant 0 : i32
      %dma_start3A_107 = tpu.memref_slice %arg5[%dma_start3A_105, %dma_start3A_106] : memref<10000x128xf32, #tpu.memory_space<hbm>> -> memref<10000x128xf32, #tpu.memory_space<hbm>>
      tpu.enqueue_indirect_dma source(%dma_start3A_107 : memref<10000x128xf32, #tpu.memory_space<hbm>>) target(%dma_start3A_102 : memref<128x128xf32, #tpu.memory_space<vmem>>) offsets(%dma_start3A_104 : memref<128xi32, #tpu.memory_space<vmem>>) semaphore(%arg21 : memref<!tpu.dma_semaphore, #tpu.memory_space<semaphore_mem>>) {add = true}
      %dma_wait3A_108 = arith.constant 0 : i32
      %dma_wait3A_109 = arith.constant 0 : i32
      %dma_wait3A_110 = tpu.memref_slice %arg10[%dma_wait3A_108, %dma_wait3A_109] : memref<384x128xf32, #tpu.memory_space<vmem>> -> memref<128x128xf32, #tpu.memory_space<vmem>>
      %dma_wait3A_111 = arith.constant 0 : i32
      %dma_wait3A_112 = tpu.memref_slice %arg8[%dma_wait3A_111] : memref<384xi32, #tpu.memory_space<vmem>> -> memref<128xi32, #tpu.memory_space<vmem>>
      %dma_wait3A_113 = arith.constant 0 : i32
      %dma_wait3A_114 = arith.constant 0 : i32
      %dma_wait3A_115 = tpu.memref_slice %arg4[%dma_wait3A_113, %dma_wait3A_114] : memref<10000x128xf32, #tpu.memory_space<hbm>> -> memref<10000x128xf32, #tpu.memory_space<hbm>>
      tpu.wait_indirect_dma semaphore(%arg21 : memref<!tpu.dma_semaphore, #tpu.memory_space<semaphore_mem>>) src(%dma_wait3A_115 : memref<10000x128xf32, #tpu.memory_space<hbm>>) dst(%dma_wait3A_110 : memref<128x128xf32, #tpu.memory_space<vmem>>)
      %dma_wait3A_116 = arith.constant 0 : i32
      %dma_wait3A_117 = arith.constant 0 : i32
      %dma_wait3A_118 = tpu.memref_slice %arg10[%dma_wait3A_116, %dma_wait3A_117] : memref<384x128xf32, #tpu.memory_space<vmem>> -> memref<128x128xf32, #tpu.memory_space<vmem>>
      %dma_wait3A_119 = arith.constant 0 : i32
      %dma_wait3A_120 = tpu.memref_slice %arg9[%dma_wait3A_119] : memref<384xi32, #tpu.memory_space<vmem>> -> memref<128xi32, #tpu.memory_space<vmem>>
      %dma_wait3A_121 = arith.constant 0 : i32
      %dma_wait3A_122 = arith.constant 0 : i32
      %dma_wait3A_123 = tpu.memref_slice %arg5[%dma_wait3A_121, %dma_wait3A_122] : memref<10000x128xf32, #tpu.memory_space<hbm>> -> memref<10000x128xf32, #tpu.memory_space<hbm>>
      tpu.wait_indirect_dma semaphore(%arg21 : memref<!tpu.dma_semaphore, #tpu.memory_space<semaphore_mem>>) src(%dma_wait3A_123 : memref<10000x128xf32, #tpu.memory_space<hbm>>) dst(%dma_wait3A_118 : memref<128x128xf32, #tpu.memory_space<vmem>>)
      %dma_wait3A_124 = arith.constant 128 : i32
      %dma_wait3A_125 = arith.constant 0 : i32
      %dma_wait3A_126 = tpu.memref_slice %arg10[%dma_wait3A_124, %dma_wait3A_125] : memref<384x128xf32, #tpu.memory_space<vmem>> -> memref<128x128xf32, #tpu.memory_space<vmem>>
      %dma_wait3A_127 = arith.constant 128 : i32
      %dma_wait3A_128 = tpu.memref_slice %arg8[%dma_wait3A_127] : memref<384xi32, #tpu.memory_space<vmem>> -> memref<128xi32, #tpu.memory_space<vmem>>
      %dma_wait3A_129 = arith.constant 0 : i32
      %dma_wait3A_130 = arith.constant 0 : i32
      %dma_wait3A_131 = tpu.memref_slice %arg4[%dma_wait3A_129, %dma_wait3A_130] : memref<10000x128xf32, #tpu.memory_space<hbm>> -> memref<10000x128xf32, #tpu.memory_space<hbm>>
      tpu.wait_indirect_dma semaphore(%arg21 : memref<!tpu.dma_semaphore, #tpu.memory_space<semaphore_mem>>) src(%dma_wait3A_131 : memref<10000x128xf32, #tpu.memory_space<hbm>>) dst(%dma_wait3A_126 : memref<128x128xf32, #tpu.memory_space<vmem>>)
      %dma_wait3A_132 = arith.constant 128 : i32
      %dma_wait3A_133 = arith.constant 0 : i32
      %dma_wait3A_134 = tpu.memref_slice %arg10[%dma_wait3A_132, %dma_wait3A_133] : memref<384x128xf32, #tpu.memory_space<vmem>> -> memref<128x128xf32, #tpu.memory_space<vmem>>
      %dma_wait3A_135 = arith.constant 128 : i32
      %dma_wait3A_136 = tpu.memref_slice %arg9[%dma_wait3A_135] : memref<384xi32, #tpu.memory_space<vmem>> -> memref<128xi32, #tpu.memory_space<vmem>>
      %dma_wait3A_137 = arith.constant 0 : i32
      %dma_wait3A_138 = arith.constant 0 : i32
      %dma_wait3A_139 = tpu.memref_slice %arg5[%dma_wait3A_137, %dma_wait3A_138] : memref<10000x128xf32, #tpu.memory_space<hbm>> -> memref<10000x128xf32, #tpu.memory_space<hbm>>
      tpu.wait_indirect_dma semaphore(%arg21 : memref<!tpu.dma_semaphore, #tpu.memory_space<semaphore_mem>>) src(%dma_wait3A_139 : memref<10000x128xf32, #tpu.memory_space<hbm>>) dst(%dma_wait3A_134 : memref<128x128xf32, #tpu.memory_space<vmem>>)
      %dma_wait3A_140 = arith.constant 256 : i32
      %dma_wait3A_141 = arith.constant 0 : i32
      %dma_wait3A_142 = tpu.memref_slice %arg10[%dma_wait3A_140, %dma_wait3A_141] : memref<384x128xf32, #tpu.memory_space<vmem>> -> memref<128x128xf32, #tpu.memory_space<vmem>>
      %dma_wait3A_143 = arith.constant 256 : i32
      %dma_wait3A_144 = tpu.memref_slice %arg8[%dma_wait3A_143] : memref<384xi32, #tpu.memory_space<vmem>> -> memref<128xi32, #tpu.memory_space<vmem>>
      %dma_wait3A_145 = arith.constant 0 : i32
      %dma_wait3A_146 = arith.constant 0 : i32
      %dma_wait3A_147 = tpu.memref_slice %arg4[%dma_wait3A_145, %dma_wait3A_146] : memref<10000x128xf32, #tpu.memory_space<hbm>> -> memref<10000x128xf32, #tpu.memory_space<hbm>>
      tpu.wait_indirect_dma semaphore(%arg21 : memref<!tpu.dma_semaphore, #tpu.memory_space<semaphore_mem>>) src(%dma_wait3A_147 : memref<10000x128xf32, #tpu.memory_space<hbm>>) dst(%dma_wait3A_142 : memref<128x128xf32, #tpu.memory_space<vmem>>)
      %dma_wait3A_148 = arith.constant 256 : i32
      %dma_wait3A_149 = arith.constant 0 : i32
      %dma_wait3A_150 = tpu.memref_slice %arg10[%dma_wait3A_148, %dma_wait3A_149] : memref<384x128xf32, #tpu.memory_space<vmem>> -> memref<128x128xf32, #tpu.memory_space<vmem>>
      %dma_wait3A_151 = arith.constant 256 : i32
      %dma_wait3A_152 = tpu.memref_slice %arg9[%dma_wait3A_151] : memref<384xi32, #tpu.memory_space<vmem>> -> memref<128xi32, #tpu.memory_space<vmem>>
      %dma_wait3A_153 = arith.constant 0 : i32
      %dma_wait3A_154 = arith.constant 0 : i32
      %dma_wait3A_155 = tpu.memref_slice %arg5[%dma_wait3A_153, %dma_wait3A_154] : memref<10000x128xf32, #tpu.memory_space<hbm>> -> memref<10000x128xf32, #tpu.memory_space<hbm>>
      tpu.wait_indirect_dma semaphore(%arg21 : memref<!tpu.dma_semaphore, #tpu.memory_space<semaphore_mem>>) src(%dma_wait3A_155 : memref<10000x128xf32, #tpu.memory_space<hbm>>) dst(%dma_wait3A_150 : memref<128x128xf32, #tpu.memory_space<vmem>>)
      %mul3A_156 = arith.constant 384 : i32
      %mul3A_157 = arith.muli %add3A_40, %mul3A_156 : i32
      %add3A_158 = arith.addi %mul3A_2, %mul3A_157 : i32
      %dma_start3A_159 = arith.constant 0 : i32
      %dma_start3A_160 = tpu.memref_slice %arg7[%add3A_158, %dma_start3A_159] : memref<320000x128xf32, #tpu.memory_space<hbm>> -> memref<384x128xf32, #tpu.memory_space<hbm>>
      %dma_start3A_161 = arith.constant 0 : i32
      %dma_start3A_162 = tpu.memref_slice %arg7[%add3A_158, %dma_start3A_161] : memref<320000x128xf32, #tpu.memory_space<hbm>> -> memref<384x128xf32, #tpu.memory_space<hbm>>
      tpu.enqueue_dma source(%arg10 : memref<384x128xf32, #tpu.memory_space<vmem>>) target(%dma_start3A_162 : memref<384x128xf32, #tpu.memory_space<hbm>>) target_semaphore(%arg19 : memref<!tpu.dma_semaphore, #tpu.memory_space<semaphore_mem>>)
      %mul3A_163 = arith.constant 2 : i32
      %mul3A_164 = arith.muli %mul3A_163, %scan3A_36 : i32
      %add3A_165 = arith.constant 1 : i32
      %add3A_166 = arith.addi %mul3A_164, %add3A_165 : i32
      %mul3A_167 = arith.constant 384 : i32
      %mul3A_168 = arith.muli %add3A_166, %mul3A_167 : i32
      %add3A_169 = arith.addi %mul3A_2, %mul3A_168 : i32
      %dma_wait3A_170 = tpu.memref_slice %arg2[%add3A_169] : memref<320000xi32, #tpu.memory_space<hbm>> -> memref<384xi32, #tpu.memory_space<hbm>>
      %dma_wait3A_171 = tpu.memref_slice %arg2[%add3A_169] : memref<320000xi32, #tpu.memory_space<hbm>> -> memref<384xi32, #tpu.memory_space<hbm>>
      tpu.wait_dma2 semaphore(%arg18 : memref<!tpu.dma_semaphore, #tpu.memory_space<semaphore_mem>>) src(%dma_wait3A_171 : memref<384xi32, #tpu.memory_space<hbm>>) dst(%arg11 : memref<384xi32, #tpu.memory_space<vmem>>)
      %dma_wait3A_172 = tpu.memref_slice %arg3[%add3A_169] : memref<320000xi32, #tpu.memory_space<hbm>> -> memref<384xi32, #tpu.memory_space<hbm>>
      %dma_wait3A_173 = tpu.memref_slice %arg3[%add3A_169] : memref<320000xi32, #tpu.memory_space<hbm>> -> memref<384xi32, #tpu.memory_space<hbm>>
      tpu.wait_dma2 semaphore(%arg18 : memref<!tpu.dma_semaphore, #tpu.memory_space<semaphore_mem>>) src(%dma_wait3A_173 : memref<384xi32, #tpu.memory_space<hbm>>) dst(%arg12 : memref<384xi32, #tpu.memory_space<vmem>>)
      %dma_wait3A_174 = arith.constant 0 : i32
      %dma_wait3A_175 = tpu.memref_slice %arg6[%add3A_169, %dma_wait3A_174] : memref<320000x128xf32, #tpu.memory_space<hbm>> -> memref<384x128xf32, #tpu.memory_space<hbm>>
      %dma_wait3A_176 = arith.constant 0 : i32
      %dma_wait3A_177 = tpu.memref_slice %arg6[%add3A_169, %dma_wait3A_176] : memref<320000x128xf32, #tpu.memory_space<hbm>> -> memref<384x128xf32, #tpu.memory_space<hbm>>
      tpu.wait_dma2 semaphore(%arg18 : memref<!tpu.dma_semaphore, #tpu.memory_space<semaphore_mem>>) src(%dma_wait3A_177 : memref<384x128xf32, #tpu.memory_space<hbm>>) dst(%arg13 : memref<384x128xf32, #tpu.memory_space<vmem>>)
      %ge3A_178 = arith.constant 1 : i32
      %ge3A_179 = arith.cmpi sge, %add3A_166, %ge3A_178 : i32
      %convert_element_type3A_180 = arith.extui %ge3A_179 : i1 to i32
      %cond3A_181 = arith.constant 0 : i32
      %cond3A_182 = arith.cmpi ne, %convert_element_type3A_180, %cond3A_181 : i32
      scf.if %cond3A_182 {
        %sub3A = arith.constant 1 : i32
        %sub3A_293 = arith.subi %add3A_166, %sub3A : i32
        %mul3A_294 = arith.constant 384 : i32
        %mul3A_295 = arith.muli %sub3A_293, %mul3A_294 : i32
        %add3A_296 = arith.addi %mul3A_2, %mul3A_295 : i32
        %dma_wait3A_297 = arith.constant 0 : i32
        %dma_wait3A_298 = tpu.memref_slice %arg7[%add3A_296, %dma_wait3A_297] : memref<320000x128xf32, #tpu.memory_space<hbm>> -> memref<384x128xf32, #tpu.memory_space<hbm>>
        %dma_wait3A_299 = arith.constant 0 : i32
        %dma_wait3A_300 = tpu.memref_slice %arg7[%add3A_296, %dma_wait3A_299] : memref<320000x128xf32, #tpu.memory_space<hbm>> -> memref<384x128xf32, #tpu.memory_space<hbm>>
        tpu.wait_dma2 semaphore(%arg19 : memref<!tpu.dma_semaphore, #tpu.memory_space<semaphore_mem>>) src(%arg10 : memref<384x128xf32, #tpu.memory_space<vmem>>) dst(%dma_wait3A_300 : memref<384x128xf32, #tpu.memory_space<hbm>>)
      } else {
      }
      %add3A_183 = arith.constant 1 : i32
      %add3A_184 = arith.addi %add3A_166, %add3A_183 : i32
      %lt3A_185 = arith.constant 26 : i32
      %lt3A_186 = arith.cmpi slt, %add3A_184, %lt3A_185 : i32
      %convert_element_type3A_187 = arith.extui %lt3A_186 : i1 to i32
      %cond3A_188 = arith.constant 0 : i32
      %cond3A_189 = arith.cmpi ne, %convert_element_type3A_187, %cond3A_188 : i32
      scf.if %cond3A_189 {
        %add3A_293 = arith.constant 1 : i32
        %add3A_294 = arith.addi %add3A_166, %add3A_293 : i32
        %mul3A_295 = arith.constant 384 : i32
        %mul3A_296 = arith.muli %add3A_294, %mul3A_295 : i32
        %add3A_297 = arith.addi %mul3A_2, %mul3A_296 : i32
        %dma_start3A_298 = tpu.memref_slice %arg2[%add3A_297] : memref<320000xi32, #tpu.memory_space<hbm>> -> memref<384xi32, #tpu.memory_space<hbm>>
        %dma_start3A_299 = tpu.memref_slice %arg2[%add3A_297] : memref<320000xi32, #tpu.memory_space<hbm>> -> memref<384xi32, #tpu.memory_space<hbm>>
        tpu.enqueue_dma source(%dma_start3A_299 : memref<384xi32, #tpu.memory_space<hbm>>) target(%arg8 : memref<384xi32, #tpu.memory_space<vmem>>) target_semaphore(%arg17 : memref<!tpu.dma_semaphore, #tpu.memory_space<semaphore_mem>>)
        %dma_start3A_300 = tpu.memref_slice %arg3[%add3A_297] : memref<320000xi32, #tpu.memory_space<hbm>> -> memref<384xi32, #tpu.memory_space<hbm>>
        %dma_start3A_301 = tpu.memref_slice %arg3[%add3A_297] : memref<320000xi32, #tpu.memory_space<hbm>> -> memref<384xi32, #tpu.memory_space<hbm>>
        tpu.enqueue_dma source(%dma_start3A_301 : memref<384xi32, #tpu.memory_space<hbm>>) target(%arg9 : memref<384xi32, #tpu.memory_space<vmem>>) target_semaphore(%arg17 : memref<!tpu.dma_semaphore, #tpu.memory_space<semaphore_mem>>)
        %dma_start3A_302 = arith.constant 0 : i32
        %dma_start3A_303 = tpu.memref_slice %arg6[%add3A_297, %dma_start3A_302] : memref<320000x128xf32, #tpu.memory_space<hbm>> -> memref<384x128xf32, #tpu.memory_space<hbm>>
        %dma_start3A_304 = arith.constant 0 : i32
        %dma_start3A_305 = tpu.memref_slice %arg6[%add3A_297, %dma_start3A_304] : memref<320000x128xf32, #tpu.memory_space<hbm>> -> memref<384x128xf32, #tpu.memory_space<hbm>>
        tpu.enqueue_dma source(%dma_start3A_305 : memref<384x128xf32, #tpu.memory_space<hbm>>) target(%arg10 : memref<384x128xf32, #tpu.memory_space<vmem>>) target_semaphore(%arg17 : memref<!tpu.dma_semaphore, #tpu.memory_space<semaphore_mem>>)
      } else {
      }
      %dma_start3A_190 = arith.constant 0 : i32
      %dma_start3A_191 = arith.constant 0 : i32
      %dma_start3A_192 = tpu.memref_slice %arg13[%dma_start3A_190, %dma_start3A_191] : memref<384x128xf32, #tpu.memory_space<vmem>> -> memref<128x128xf32, #tpu.memory_space<vmem>>
      %dma_start3A_193 = arith.constant 0 : i32
      %dma_start3A_194 = tpu.memref_slice %arg11[%dma_start3A_193] : memref<384xi32, #tpu.memory_space<vmem>> -> memref<128xi32, #tpu.memory_space<vmem>>
      %dma_start3A_195 = arith.constant 0 : i32
      %dma_start3A_196 = arith.constant 0 : i32
      %dma_start3A_197 = tpu.memref_slice %arg4[%dma_start3A_195, %dma_start3A_196] : memref<10000x128xf32, #tpu.memory_space<hbm>> -> memref<10000x128xf32, #tpu.memory_space<hbm>>
      tpu.enqueue_indirect_dma source(%dma_start3A_197 : memref<10000x128xf32, #tpu.memory_space<hbm>>) target(%dma_start3A_192 : memref<128x128xf32, #tpu.memory_space<vmem>>) offsets(%dma_start3A_194 : memref<128xi32, #tpu.memory_space<vmem>>) semaphore(%arg21 : memref<!tpu.dma_semaphore, #tpu.memory_space<semaphore_mem>>) {add = true}
      %dma_start3A_198 = arith.constant 0 : i32
      %dma_start3A_199 = arith.constant 0 : i32
      %dma_start3A_200 = tpu.memref_slice %arg13[%dma_start3A_198, %dma_start3A_199] : memref<384x128xf32, #tpu.memory_space<vmem>> -> memref<128x128xf32, #tpu.memory_space<vmem>>
      %dma_start3A_201 = arith.constant 0 : i32
      %dma_start3A_202 = tpu.memref_slice %arg12[%dma_start3A_201] : memref<384xi32, #tpu.memory_space<vmem>> -> memref<128xi32, #tpu.memory_space<vmem>>
      %dma_start3A_203 = arith.constant 0 : i32
      %dma_start3A_204 = arith.constant 0 : i32
      %dma_start3A_205 = tpu.memref_slice %arg5[%dma_start3A_203, %dma_start3A_204] : memref<10000x128xf32, #tpu.memory_space<hbm>> -> memref<10000x128xf32, #tpu.memory_space<hbm>>
      tpu.enqueue_indirect_dma source(%dma_start3A_205 : memref<10000x128xf32, #tpu.memory_space<hbm>>) target(%dma_start3A_200 : memref<128x128xf32, #tpu.memory_space<vmem>>) offsets(%dma_start3A_202 : memref<128xi32, #tpu.memory_space<vmem>>) semaphore(%arg21 : memref<!tpu.dma_semaphore, #tpu.memory_space<semaphore_mem>>) {add = true}
      %dma_start3A_206 = arith.constant 128 : i32
      %dma_start3A_207 = arith.constant 0 : i32
      %dma_start3A_208 = tpu.memref_slice %arg13[%dma_start3A_206, %dma_start3A_207] : memref<384x128xf32, #tpu.memory_space<vmem>> -> memref<128x128xf32, #tpu.memory_space<vmem>>
      %dma_start3A_209 = arith.constant 128 : i32
      %dma_start3A_210 = tpu.memref_slice %arg11[%dma_start3A_209] : memref<384xi32, #tpu.memory_space<vmem>> -> memref<128xi32, #tpu.memory_space<vmem>>
      %dma_start3A_211 = arith.constant 0 : i32
      %dma_start3A_212 = arith.constant 0 : i32
      %dma_start3A_213 = tpu.memref_slice %arg4[%dma_start3A_211, %dma_start3A_212] : memref<10000x128xf32, #tpu.memory_space<hbm>> -> memref<10000x128xf32, #tpu.memory_space<hbm>>
      tpu.enqueue_indirect_dma source(%dma_start3A_213 : memref<10000x128xf32, #tpu.memory_space<hbm>>) target(%dma_start3A_208 : memref<128x128xf32, #tpu.memory_space<vmem>>) offsets(%dma_start3A_210 : memref<128xi32, #tpu.memory_space<vmem>>) semaphore(%arg21 : memref<!tpu.dma_semaphore, #tpu.memory_space<semaphore_mem>>) {add = true}
      %dma_start3A_214 = arith.constant 128 : i32
      %dma_start3A_215 = arith.constant 0 : i32
      %dma_start3A_216 = tpu.memref_slice %arg13[%dma_start3A_214, %dma_start3A_215] : memref<384x128xf32, #tpu.memory_space<vmem>> -> memref<128x128xf32, #tpu.memory_space<vmem>>
      %dma_start3A_217 = arith.constant 128 : i32
      %dma_start3A_218 = tpu.memref_slice %arg12[%dma_start3A_217] : memref<384xi32, #tpu.memory_space<vmem>> -> memref<128xi32, #tpu.memory_space<vmem>>
      %dma_start3A_219 = arith.constant 0 : i32
      %dma_start3A_220 = arith.constant 0 : i32
      %dma_start3A_221 = tpu.memref_slice %arg5[%dma_start3A_219, %dma_start3A_220] : memref<10000x128xf32, #tpu.memory_space<hbm>> -> memref<10000x128xf32, #tpu.memory_space<hbm>>
      tpu.enqueue_indirect_dma source(%dma_start3A_221 : memref<10000x128xf32, #tpu.memory_space<hbm>>) target(%dma_start3A_216 : memref<128x128xf32, #tpu.memory_space<vmem>>) offsets(%dma_start3A_218 : memref<128xi32, #tpu.memory_space<vmem>>) semaphore(%arg21 : memref<!tpu.dma_semaphore, #tpu.memory_space<semaphore_mem>>) {add = true}
      %dma_start3A_222 = arith.constant 256 : i32
      %dma_start3A_223 = arith.constant 0 : i32
      %dma_start3A_224 = tpu.memref_slice %arg13[%dma_start3A_222, %dma_start3A_223] : memref<384x128xf32, #tpu.memory_space<vmem>> -> memref<128x128xf32, #tpu.memory_space<vmem>>
      %dma_start3A_225 = arith.constant 256 : i32
      %dma_start3A_226 = tpu.memref_slice %arg11[%dma_start3A_225] : memref<384xi32, #tpu.memory_space<vmem>> -> memref<128xi32, #tpu.memory_space<vmem>>
      %dma_start3A_227 = arith.constant 0 : i32
      %dma_start3A_228 = arith.constant 0 : i32
      %dma_start3A_229 = tpu.memref_slice %arg4[%dma_start3A_227, %dma_start3A_228] : memref<10000x128xf32, #tpu.memory_space<hbm>> -> memref<10000x128xf32, #tpu.memory_space<hbm>>
      tpu.enqueue_indirect_dma source(%dma_start3A_229 : memref<10000x128xf32, #tpu.memory_space<hbm>>) target(%dma_start3A_224 : memref<128x128xf32, #tpu.memory_space<vmem>>) offsets(%dma_start3A_226 : memref<128xi32, #tpu.memory_space<vmem>>) semaphore(%arg21 : memref<!tpu.dma_semaphore, #tpu.memory_space<semaphore_mem>>) {add = true}
      %dma_start3A_230 = arith.constant 256 : i32
      %dma_start3A_231 = arith.constant 0 : i32
      %dma_start3A_232 = tpu.memref_slice %arg13[%dma_start3A_230, %dma_start3A_231] : memref<384x128xf32, #tpu.memory_space<vmem>> -> memref<128x128xf32, #tpu.memory_space<vmem>>
      %dma_start3A_233 = arith.constant 256 : i32
      %dma_start3A_234 = tpu.memref_slice %arg12[%dma_start3A_233] : memref<384xi32, #tpu.memory_space<vmem>> -> memref<128xi32, #tpu.memory_space<vmem>>
      %dma_start3A_235 = arith.constant 0 : i32
      %dma_start3A_236 = arith.constant 0 : i32
      %dma_start3A_237 = tpu.memref_slice %arg5[%dma_start3A_235, %dma_start3A_236] : memref<10000x128xf32, #tpu.memory_space<hbm>> -> memref<10000x128xf32, #tpu.memory_space<hbm>>
      tpu.enqueue_indirect_dma source(%dma_start3A_237 : memref<10000x128xf32, #tpu.memory_space<hbm>>) target(%dma_start3A_232 : memref<128x128xf32, #tpu.memory_space<vmem>>) offsets(%dma_start3A_234 : memref<128xi32, #tpu.memory_space<vmem>>) semaphore(%arg21 : memref<!tpu.dma_semaphore, #tpu.memory_space<semaphore_mem>>) {add = true}
      %dma_wait3A_238 = arith.constant 0 : i32
      %dma_wait3A_239 = arith.constant 0 : i32
      %dma_wait3A_240 = tpu.memref_slice %arg13[%dma_wait3A_238, %dma_wait3A_239] : memref<384x128xf32, #tpu.memory_space<vmem>> -> memref<128x128xf32, #tpu.memory_space<vmem>>
      %dma_wait3A_241 = arith.constant 0 : i32
      %dma_wait3A_242 = tpu.memref_slice %arg11[%dma_wait3A_241] : memref<384xi32, #tpu.memory_space<vmem>> -> memref<128xi32, #tpu.memory_space<vmem>>
      %dma_wait3A_243 = arith.constant 0 : i32
      %dma_wait3A_244 = arith.constant 0 : i32
      %dma_wait3A_245 = tpu.memref_slice %arg4[%dma_wait3A_243, %dma_wait3A_244] : memref<10000x128xf32, #tpu.memory_space<hbm>> -> memref<10000x128xf32, #tpu.memory_space<hbm>>
      tpu.wait_indirect_dma semaphore(%arg21 : memref<!tpu.dma_semaphore, #tpu.memory_space<semaphore_mem>>) src(%dma_wait3A_245 : memref<10000x128xf32, #tpu.memory_space<hbm>>) dst(%dma_wait3A_240 : memref<128x128xf32, #tpu.memory_space<vmem>>)
      %dma_wait3A_246 = arith.constant 0 : i32
      %dma_wait3A_247 = arith.constant 0 : i32
      %dma_wait3A_248 = tpu.memref_slice %arg13[%dma_wait3A_246, %dma_wait3A_247] : memref<384x128xf32, #tpu.memory_space<vmem>> -> memref<128x128xf32, #tpu.memory_space<vmem>>
      %dma_wait3A_249 = arith.constant 0 : i32
      %dma_wait3A_250 = tpu.memref_slice %arg12[%dma_wait3A_249] : memref<384xi32, #tpu.memory_space<vmem>> -> memref<128xi32, #tpu.memory_space<vmem>>
      %dma_wait3A_251 = arith.constant 0 : i32
      %dma_wait3A_252 = arith.constant 0 : i32
      %dma_wait3A_253 = tpu.memref_slice %arg5[%dma_wait3A_251, %dma_wait3A_252] : memref<10000x128xf32, #tpu.memory_space<hbm>> -> memref<10000x128xf32, #tpu.memory_space<hbm>>
      tpu.wait_indirect_dma semaphore(%arg21 : memref<!tpu.dma_semaphore, #tpu.memory_space<semaphore_mem>>) src(%dma_wait3A_253 : memref<10000x128xf32, #tpu.memory_space<hbm>>) dst(%dma_wait3A_248 : memref<128x128xf32, #tpu.memory_space<vmem>>)
      %dma_wait3A_254 = arith.constant 128 : i32
      %dma_wait3A_255 = arith.constant 0 : i32
      %dma_wait3A_256 = tpu.memref_slice %arg13[%dma_wait3A_254, %dma_wait3A_255] : memref<384x128xf32, #tpu.memory_space<vmem>> -> memref<128x128xf32, #tpu.memory_space<vmem>>
      %dma_wait3A_257 = arith.constant 128 : i32
      %dma_wait3A_258 = tpu.memref_slice %arg11[%dma_wait3A_257] : memref<384xi32, #tpu.memory_space<vmem>> -> memref<128xi32, #tpu.memory_space<vmem>>
      %dma_wait3A_259 = arith.constant 0 : i32
      %dma_wait3A_260 = arith.constant 0 : i32
      %dma_wait3A_261 = tpu.memref_slice %arg4[%dma_wait3A_259, %dma_wait3A_260] : memref<10000x128xf32, #tpu.memory_space<hbm>> -> memref<10000x128xf32, #tpu.memory_space<hbm>>
      tpu.wait_indirect_dma semaphore(%arg21 : memref<!tpu.dma_semaphore, #tpu.memory_space<semaphore_mem>>) src(%dma_wait3A_261 : memref<10000x128xf32, #tpu.memory_space<hbm>>) dst(%dma_wait3A_256 : memref<128x128xf32, #tpu.memory_space<vmem>>)
      %dma_wait3A_262 = arith.constant 128 : i32
      %dma_wait3A_263 = arith.constant 0 : i32
      %dma_wait3A_264 = tpu.memref_slice %arg13[%dma_wait3A_262, %dma_wait3A_263] : memref<384x128xf32, #tpu.memory_space<vmem>> -> memref<128x128xf32, #tpu.memory_space<vmem>>
      %dma_wait3A_265 = arith.constant 128 : i32
      %dma_wait3A_266 = tpu.memref_slice %arg12[%dma_wait3A_265] : memref<384xi32, #tpu.memory_space<vmem>> -> memref<128xi32, #tpu.memory_space<vmem>>
      %dma_wait3A_267 = arith.constant 0 : i32
      %dma_wait3A_268 = arith.constant 0 : i32
      %dma_wait3A_269 = tpu.memref_slice %arg5[%dma_wait3A_267, %dma_wait3A_268] : memref<10000x128xf32, #tpu.memory_space<hbm>> -> memref<10000x128xf32, #tpu.memory_space<hbm>>
      tpu.wait_indirect_dma semaphore(%arg21 : memref<!tpu.dma_semaphore, #tpu.memory_space<semaphore_mem>>) src(%dma_wait3A_269 : memref<10000x128xf32, #tpu.memory_space<hbm>>) dst(%dma_wait3A_264 : memref<128x128xf32, #tpu.memory_space<vmem>>)
      %dma_wait3A_270 = arith.constant 256 : i32
      %dma_wait3A_271 = arith.constant 0 : i32
      %dma_wait3A_272 = tpu.memref_slice %arg13[%dma_wait3A_270, %dma_wait3A_271] : memref<384x128xf32, #tpu.memory_space<vmem>> -> memref<128x128xf32, #tpu.memory_space<vmem>>
      %dma_wait3A_273 = arith.constant 256 : i32
      %dma_wait3A_274 = tpu.memref_slice %arg11[%dma_wait3A_273] : memref<384xi32, #tpu.memory_space<vmem>> -> memref<128xi32, #tpu.memory_space<vmem>>
      %dma_wait3A_275 = arith.constant 0 : i32
      %dma_wait3A_276 = arith.constant 0 : i32
      %dma_wait3A_277 = tpu.memref_slice %arg4[%dma_wait3A_275, %dma_wait3A_276] : memref<10000x128xf32, #tpu.memory_space<hbm>> -> memref<10000x128xf32, #tpu.memory_space<hbm>>
      tpu.wait_indirect_dma semaphore(%arg21 : memref<!tpu.dma_semaphore, #tpu.memory_space<semaphore_mem>>) src(%dma_wait3A_277 : memref<10000x128xf32, #tpu.memory_space<hbm>>) dst(%dma_wait3A_272 : memref<128x128xf32, #tpu.memory_space<vmem>>)
      %dma_wait3A_278 = arith.constant 256 : i32
      %dma_wait3A_279 = arith.constant 0 : i32
      %dma_wait3A_280 = tpu.memref_slice %arg13[%dma_wait3A_278, %dma_wait3A_279] : memref<384x128xf32, #tpu.memory_space<vmem>> -> memref<128x128xf32, #tpu.memory_space<vmem>>
      %dma_wait3A_281 = arith.constant 256 : i32
      %dma_wait3A_282 = tpu.memref_slice %arg12[%dma_wait3A_281] : memref<384xi32, #tpu.memory_space<vmem>> -> memref<128xi32, #tpu.memory_space<vmem>>
      %dma_wait3A_283 = arith.constant 0 : i32
      %dma_wait3A_284 = arith.constant 0 : i32
      %dma_wait3A_285 = tpu.memref_slice %arg5[%dma_wait3A_283, %dma_wait3A_284] : memref<10000x128xf32, #tpu.memory_space<hbm>> -> memref<10000x128xf32, #tpu.memory_space<hbm>>
      tpu.wait_indirect_dma semaphore(%arg21 : memref<!tpu.dma_semaphore, #tpu.memory_space<semaphore_mem>>) src(%dma_wait3A_285 : memref<10000x128xf32, #tpu.memory_space<hbm>>) dst(%dma_wait3A_280 : memref<128x128xf32, #tpu.memory_space<vmem>>)
      %mul3A_286 = arith.constant 384 : i32
      %mul3A_287 = arith.muli %add3A_166, %mul3A_286 : i32
      %add3A_288 = arith.addi %mul3A_2, %mul3A_287 : i32
      %dma_start3A_289 = arith.constant 0 : i32
      %dma_start3A_290 = tpu.memref_slice %arg7[%add3A_288, %dma_start3A_289] : memref<320000x128xf32, #tpu.memory_space<hbm>> -> memref<384x128xf32, #tpu.memory_space<hbm>>
      %dma_start3A_291 = arith.constant 0 : i32
      %dma_start3A_292 = tpu.memref_slice %arg7[%add3A_288, %dma_start3A_291] : memref<320000x128xf32, #tpu.memory_space<hbm>> -> memref<384x128xf32, #tpu.memory_space<hbm>>
      tpu.enqueue_dma source(%arg13 : memref<384x128xf32, #tpu.memory_space<vmem>>) target(%dma_start3A_292 : memref<384x128xf32, #tpu.memory_space<hbm>>) target_semaphore(%arg20 : memref<!tpu.dma_semaphore, #tpu.memory_space<semaphore_mem>>)
    }
    %scan3A_16 = arith.constant 13 : i32
    %add3A_17 = arith.constant 9600 : i32
    %add3A_18 = arith.addi %mul3A_2, %add3A_17 : i32
    %dma_wait3A = arith.constant 0 : i32
    %dma_wait3A_19 = tpu.memref_slice %arg7[%add3A_18, %dma_wait3A] : memref<320000x128xf32, #tpu.memory_space<hbm>> -> memref<384x128xf32, #tpu.memory_space<hbm>>
    %dma_wait3A_20 = arith.constant 0 : i32
    %dma_wait3A_21 = tpu.memref_slice %arg7[%add3A_18, %dma_wait3A_20] : memref<320000x128xf32, #tpu.memory_space<hbm>> -> memref<384x128xf32, #tpu.memory_space<hbm>>
    tpu.wait_dma2 semaphore(%arg20 : memref<!tpu.dma_semaphore, #tpu.memory_space<semaphore_mem>>) src(%arg13 : memref<384x128xf32, #tpu.memory_space<vmem>>) dst(%dma_wait3A_21 : memref<384x128xf32, #tpu.memory_space<hbm>>)
    %add3A_22 = arith.constant 9984 : i32
    %add3A_23 = arith.addi %mul3A_2, %add3A_22 : i32
    "tpu.region"() ({
      %run_scoped3A = tpu.sem_alloc : memref<!tpu.dma_semaphore, #tpu.memory_space<semaphore_mem>>
      %dma_start3A_36 = tpu.memref_slice %arg2[%add3A_23] : memref<320000xi32, #tpu.memory_space<hbm>> -> memref<16xi32, #tpu.memory_space<hbm>>
      %dma_start3A_37 = tpu.memref_slice %arg2[%add3A_23] : memref<320000xi32, #tpu.memory_space<hbm>> -> memref<16xi32, #tpu.memory_space<hbm>>
      tpu.enqueue_dma source(%dma_start3A_37 : memref<16xi32, #tpu.memory_space<hbm>>) target(%arg14 : memref<16xi32, #tpu.memory_space<vmem>>) target_semaphore(%run_scoped3A : memref<!tpu.dma_semaphore, #tpu.memory_space<semaphore_mem>>)
      %dma_wait3A_38 = tpu.memref_slice %arg2[%add3A_23] : memref<320000xi32, #tpu.memory_space<hbm>> -> memref<16xi32, #tpu.memory_space<hbm>>
      %dma_wait3A_39 = tpu.memref_slice %arg2[%add3A_23] : memref<320000xi32, #tpu.memory_space<hbm>> -> memref<16xi32, #tpu.memory_space<hbm>>
      tpu.wait_dma2 semaphore(%run_scoped3A : memref<!tpu.dma_semaphore, #tpu.memory_space<semaphore_mem>>) src(%dma_wait3A_39 : memref<16xi32, #tpu.memory_space<hbm>>) dst(%arg14 : memref<16xi32, #tpu.memory_space<vmem>>)
      tpu.yield
    }) : () -> ()
    "tpu.region"() ({
      %run_scoped3A = tpu.sem_alloc : memref<!tpu.dma_semaphore, #tpu.memory_space<semaphore_mem>>
      %dma_start3A_36 = tpu.memref_slice %arg3[%add3A_23] : memref<320000xi32, #tpu.memory_space<hbm>> -> memref<16xi32, #tpu.memory_space<hbm>>
      %dma_start3A_37 = tpu.memref_slice %arg3[%add3A_23] : memref<320000xi32, #tpu.memory_space<hbm>> -> memref<16xi32, #tpu.memory_space<hbm>>
      tpu.enqueue_dma source(%dma_start3A_37 : memref<16xi32, #tpu.memory_space<hbm>>) target(%arg15 : memref<16xi32, #tpu.memory_space<vmem>>) target_semaphore(%run_scoped3A : memref<!tpu.dma_semaphore, #tpu.memory_space<semaphore_mem>>)
      %dma_wait3A_38 = tpu.memref_slice %arg3[%add3A_23] : memref<320000xi32, #tpu.memory_space<hbm>> -> memref<16xi32, #tpu.memory_space<hbm>>
      %dma_wait3A_39 = tpu.memref_slice %arg3[%add3A_23] : memref<320000xi32, #tpu.memory_space<hbm>> -> memref<16xi32, #tpu.memory_space<hbm>>
      tpu.wait_dma2 semaphore(%run_scoped3A : memref<!tpu.dma_semaphore, #tpu.memory_space<semaphore_mem>>) src(%dma_wait3A_39 : memref<16xi32, #tpu.memory_space<hbm>>) dst(%arg15 : memref<16xi32, #tpu.memory_space<vmem>>)
      tpu.yield
    }) : () -> ()
    "tpu.region"() ({
      %run_scoped3A = tpu.sem_alloc : memref<!tpu.dma_semaphore, #tpu.memory_space<semaphore_mem>>
      %dma_start3A_36 = arith.constant 0 : i32
      %dma_start3A_37 = tpu.memref_slice %arg6[%add3A_23, %dma_start3A_36] : memref<320000x128xf32, #tpu.memory_space<hbm>> -> memref<16x128xf32, #tpu.memory_space<hbm>>
      %dma_start3A_38 = arith.constant 0 : i32
      %dma_start3A_39 = tpu.memref_slice %arg6[%add3A_23, %dma_start3A_38] : memref<320000x128xf32, #tpu.memory_space<hbm>> -> memref<16x128xf32, #tpu.memory_space<hbm>>
      tpu.enqueue_dma source(%dma_start3A_39 : memref<16x128xf32, #tpu.memory_space<hbm>>) target(%arg16 : memref<16x128xf32, #tpu.memory_space<vmem>>) target_semaphore(%run_scoped3A : memref<!tpu.dma_semaphore, #tpu.memory_space<semaphore_mem>>)
      %dma_wait3A_40 = arith.constant 0 : i32
      %dma_wait3A_41 = tpu.memref_slice %arg6[%add3A_23, %dma_wait3A_40] : memref<320000x128xf32, #tpu.memory_space<hbm>> -> memref<16x128xf32, #tpu.memory_space<hbm>>
      %dma_wait3A_42 = arith.constant 0 : i32
      %dma_wait3A_43 = tpu.memref_slice %arg6[%add3A_23, %dma_wait3A_42] : memref<320000x128xf32, #tpu.memory_space<hbm>> -> memref<16x128xf32, #tpu.memory_space<hbm>>
      tpu.wait_dma2 semaphore(%run_scoped3A : memref<!tpu.dma_semaphore, #tpu.memory_space<semaphore_mem>>) src(%dma_wait3A_43 : memref<16x128xf32, #tpu.memory_space<hbm>>) dst(%arg16 : memref<16x128xf32, #tpu.memory_space<vmem>>)
      tpu.yield
    }) : () -> ()
    %dma_start3A_24 = arith.constant 0 : i32
    %dma_start3A_25 = arith.constant 0 : i32
    %dma_start3A_26 = tpu.memref_slice %arg4[%dma_start3A_24, %dma_start3A_25] : memref<10000x128xf32, #tpu.memory_space<hbm>> -> memref<10000x128xf32, #tpu.memory_space<hbm>>
    tpu.enqueue_indirect_dma source(%dma_start3A_26 : memref<10000x128xf32, #tpu.memory_space<hbm>>) target(%arg16 : memref<16x128xf32, #tpu.memory_space<vmem>>) offsets(%arg14 : memref<16xi32, #tpu.memory_space<vmem>>) semaphore(%arg21 : memref<!tpu.dma_semaphore, #tpu.memory_space<semaphore_mem>>) {add = true}
    %dma_start3A_27 = arith.constant 0 : i32
    %dma_start3A_28 = arith.constant 0 : i32
    %dma_start3A_29 = tpu.memref_slice %arg5[%dma_start3A_27, %dma_start3A_28] : memref<10000x128xf32, #tpu.memory_space<hbm>> -> memref<10000x128xf32, #tpu.memory_space<hbm>>
    tpu.enqueue_indirect_dma source(%dma_start3A_29 : memref<10000x128xf32, #tpu.memory_space<hbm>>) target(%arg16 : memref<16x128xf32, #tpu.memory_space<vmem>>) offsets(%arg15 : memref<16xi32, #tpu.memory_space<vmem>>) semaphore(%arg21 : memref<!tpu.dma_semaphore, #tpu.memory_space<semaphore_mem>>) {add = true}
    %dma_wait3A_30 = arith.constant 0 : i32
    %dma_wait3A_31 = arith.constant 0 : i32
    %dma_wait3A_32 = tpu.memref_slice %arg4[%dma_wait3A_30, %dma_wait3A_31] : memref<10000x128xf32, #tpu.memory_space<hbm>> -> memref<10000x128xf32, #tpu.memory_space<hbm>>
    tpu.wait_indirect_dma semaphore(%arg21 : memref<!tpu.dma_semaphore, #tpu.memory_space<semaphore_mem>>) src(%dma_wait3A_32 : memref<10000x128xf32, #tpu.memory_space<hbm>>) dst(%arg16 : memref<16x128xf32, #tpu.memory_space<vmem>>)
    %dma_wait3A_33 = arith.constant 0 : i32
    %dma_wait3A_34 = arith.constant 0 : i32
    %dma_wait3A_35 = tpu.memref_slice %arg5[%dma_wait3A_33, %dma_wait3A_34] : memref<10000x128xf32, #tpu.memory_space<hbm>> -> memref<10000x128xf32, #tpu.memory_space<hbm>>
    tpu.wait_indirect_dma semaphore(%arg21 : memref<!tpu.dma_semaphore, #tpu.memory_space<semaphore_mem>>) src(%dma_wait3A_35 : memref<10000x128xf32, #tpu.memory_space<hbm>>) dst(%arg16 : memref<16x128xf32, #tpu.memory_space<vmem>>)
    "tpu.region"() ({
      %run_scoped3A = tpu.sem_alloc : memref<!tpu.dma_semaphore, #tpu.memory_space<semaphore_mem>>
      %dma_start3A_36 = arith.constant 0 : i32
      %dma_start3A_37 = tpu.memref_slice %arg7[%add3A_23, %dma_start3A_36] : memref<320000x128xf32, #tpu.memory_space<hbm>> -> memref<16x128xf32, #tpu.memory_space<hbm>>
      %dma_start3A_38 = arith.constant 0 : i32
      %dma_start3A_39 = tpu.memref_slice %arg7[%add3A_23, %dma_start3A_38] : memref<320000x128xf32, #tpu.memory_space<hbm>> -> memref<16x128xf32, #tpu.memory_space<hbm>>
      tpu.enqueue_dma source(%arg16 : memref<16x128xf32, #tpu.memory_space<vmem>>) target(%dma_start3A_39 : memref<16x128xf32, #tpu.memory_space<hbm>>) target_semaphore(%run_scoped3A : memref<!tpu.dma_semaphore, #tpu.memory_space<semaphore_mem>>)
      %dma_wait3A_40 = arith.constant 0 : i32
      %dma_wait3A_41 = tpu.memref_slice %arg7[%add3A_23, %dma_wait3A_40] : memref<320000x128xf32, #tpu.memory_space<hbm>> -> memref<16x128xf32, #tpu.memory_space<hbm>>
      %dma_wait3A_42 = arith.constant 0 : i32
      %dma_wait3A_43 = tpu.memref_slice %arg7[%add3A_23, %dma_wait3A_42] : memref<320000x128xf32, #tpu.memory_space<hbm>> -> memref<16x128xf32, #tpu.memory_space<hbm>>
      tpu.wait_dma2 semaphore(%run_scoped3A : memref<!tpu.dma_semaphore, #tpu.memory_space<semaphore_mem>>) src(%arg16 : memref<16x128xf32, #tpu.memory_space<vmem>>) dst(%dma_wait3A_43 : memref<16x128xf32, #tpu.memory_space<hbm>>)
      tpu.yield
    }) : () -> ()
    return
  }
}

module attributes {stable_mosaic.version = 14 : i64} {
  func.func @_proj_body(%arg0: i32, %arg1: memref<1000x128xf32, #tpu.memory_space<vmem>>, %arg2: memref<128x128xf32, #tpu.memory_space<vmem>>, %arg3: memref<128x128xf32, #tpu.memory_space<vmem>>, %arg4: memref<1000x128xf32, #tpu.memory_space<vmem>>, %arg5: memref<1000x128xf32, #tpu.memory_space<vmem>>) attributes {dimension_semantics = [#tpu.dimension_semantics<arbitrary>], iteration_bounds = array<i64: 10>, scalar_prefetch = 0 : i64, scratch_operands = 0 : i64, tpu.core_type = #tpu.core_type<tc>, window_params = [{transform_indices = @transform_0, window_bounds = array<i64: 1000, 128>}, {pipeline_mode = #tpu.pipeline_mode<synchronous>, transform_indices = @transform_1, window_bounds = array<i64: 128, 128>}, {pipeline_mode = #tpu.pipeline_mode<synchronous>, transform_indices = @transform_2, window_bounds = array<i64: 128, 128>}, {transform_indices = @transform_3, window_bounds = array<i64: 1000, 128>}, {transform_indices = @transform_4, window_bounds = array<i64: 1000, 128>}]} {
    %get3A = arith.constant 0 : index
    %get3A_0 = arith.constant 0 : index
    %get3A_1 = vector.load %arg1[%get3A, %get3A_0] : memref<1000x128xf32, #tpu.memory_space<vmem>>, vector<1000x128xf32>
    %get3A_2 = arith.constant 0 : index
    %get3A_3 = arith.constant 0 : index
    %get3A_4 = vector.load %arg2[%get3A_2, %get3A_3] : memref<128x128xf32, #tpu.memory_space<vmem>>, vector<128x128xf32>
    %dot_general3A = arith.constant dense<0.000000e+00> : vector<1000x128xf32>
    %dot_general3A_5 = tpu.matmul %get3A_1, %get3A_4, %dot_general3A {dimension_numbers = #tpu.dot_dimension_numbers<[1], [0], [0], [1], [0, 0, 1, 1], [], []>, transpose_lhs_hint = false} : vector<1000x128xf32>, vector<128x128xf32>, vector<1000x128xf32> -> vector<1000x128xf32>
    %swap3A = arith.constant 0 : index
    %swap3A_6 = arith.constant 0 : index
    %swap3A_7 = vector.load %arg4[%swap3A, %swap3A_6] : memref<1000x128xf32, #tpu.memory_space<vmem>>, vector<1000x128xf32>
    tpu.vector_store %arg4[%swap3A, %swap3A_6], %dot_general3A_5 {strides = array<i32>} : memref<1000x128xf32, #tpu.memory_space<vmem>>, vector<1000x128xf32>,
    %get3A_8 = arith.constant 0 : index
    %get3A_9 = arith.constant 0 : index
    %get3A_10 = vector.load %arg3[%get3A_8, %get3A_9] : memref<128x128xf32, #tpu.memory_space<vmem>>, vector<128x128xf32>
    %dot_general3A_11 = arith.constant dense<0.000000e+00> : vector<1000x128xf32>
    %dot_general3A_12 = tpu.matmul %get3A_1, %get3A_10, %dot_general3A_11 {dimension_numbers = #tpu.dot_dimension_numbers<[1], [0], [0], [1], [0, 0, 1, 1], [], []>, transpose_lhs_hint = false} : vector<1000x128xf32>, vector<128x128xf32>, vector<1000x128xf32> -> vector<1000x128xf32>
    %swap3A_13 = arith.constant 0 : index
    %swap3A_14 = arith.constant 0 : index
    %swap3A_15 = vector.load %arg5[%swap3A_13, %swap3A_14] : memref<1000x128xf32, #tpu.memory_space<vmem>>, vector<1000x128xf32>
    tpu.vector_store %arg5[%swap3A_13, %swap3A_14], %dot_general3A_12 {strides = array<i32>} : memref<1000x128xf32, #tpu.memory_space<vmem>>, vector<1000x128xf32>,
    return
  }
  func.func @transform_0(%arg0: i32) -> (i32, i32) {
    %c0_i32 = arith.constant 0 : i32
    %c0_i32_0 = arith.constant 0 : i32
    return %arg0, %c0_i32 : i32, i32
  }
  func.func @transform_1(%arg0: i32) -> (i32, i32) {
    %c0_i32 = arith.constant 0 : i32
    %c0_i32_0 = arith.constant 0 : i32
    %c0_i32_1 = arith.constant 0 : i32
    return %c0_i32, %c0_i32_0 : i32, i32
  }
  func.func @transform_2(%arg0: i32) -> (i32, i32) {
    %c0_i32 = arith.constant 0 : i32
    %c0_i32_0 = arith.constant 0 : i32
    %c0_i32_1 = arith.constant 0 : i32
    return %c0_i32, %c0_i32_0 : i32, i32
  }
  func.func @transform_3(%arg0: i32) -> (i32, i32) {
    %c0_i32 = arith.constant 0 : i32
    %c0_i32_0 = arith.constant 0 : i32
    return %arg0, %c0_i32 : i32, i32
  }
  func.func @transform_4(%arg0: i32) -> (i32, i32) {
    %c0_i32 = arith.constant 0 : i32
    %c0_i32_0 = arith.constant 0 : i32
    return %arg0, %c0_i32 : i32, i32
  }
}

module attributes {stable_mosaic.version = 14 : i64} {
  func.func @_eb_body(%arg0: i32, %arg1: memref<16x16000xf32, #tpu.memory_space<vmem>>, %arg2: memref<16x128xf32, #tpu.memory_space<vmem>>, %arg3: memref<1x128xf32, #tpu.memory_space<vmem>>, %arg4: memref<16000x128xf32, #tpu.memory_space<vmem>>) attributes {dimension_semantics = [#tpu.dimension_semantics<arbitrary>], iteration_bounds = array<i64: 20>, scalar_prefetch = 0 : i64, scratch_operands = 0 : i64, tpu.core_type = #tpu.core_type<tc>, window_params = [{transform_indices = @transform_0, window_bounds = array<i64: 16, 16000>}, {pipeline_mode = #tpu.pipeline_mode<synchronous>, transform_indices = @transform_1, window_bounds = array<i64: 16, 128>}, {pipeline_mode = #tpu.pipeline_mode<synchronous>, transform_indices = @transform_2, window_bounds = array<i64: 1, 128>}, {transform_indices = @transform_3, window_bounds = array<i64: 16000, 128>}]} {
    %get3A = arith.constant 0 : index
    %get3A_0 = arith.constant 0 : index
    %get3A_1 = vector.load %arg1[%get3A, %get3A_0] : memref<16x16000xf32, #tpu.memory_space<vmem>>, vector<16x16000xf32>
    %get3A_2 = arith.constant 0 : index
    %get3A_3 = arith.constant 0 : index
    %get3A_4 = vector.load %arg2[%get3A_2, %get3A_3] : memref<16x128xf32, #tpu.memory_space<vmem>>, vector<16x128xf32>
    %dot_general3A = arith.constant dense<0.000000e+00> : vector<16000x128xf32>
    %dot_general3A_5 = tpu.matmul %get3A_1, %get3A_4, %dot_general3A {dimension_numbers = #tpu.dot_dimension_numbers<[0], [0], [1], [1], [0, 1, 1, 1], [], []>, transpose_lhs_hint = false} : vector<16x16000xf32>, vector<16x128xf32>, vector<16000x128xf32> -> vector<16000x128xf32>
    %get3A_6 = arith.constant 0 : index
    %get3A_7 = arith.constant 0 : index
    %get3A_8 = vector.load %arg3[%get3A_6, %get3A_7] : memref<1x128xf32, #tpu.memory_space<vmem>>, vector<1x128xf32>
    %add3A = vector.broadcast %get3A_8 : vector<1x128xf32> to vector<16000x128xf32>
    %add3A_9 = arith.addf %dot_general3A_5, %add3A : vector<16000x128xf32>
    %swap3A = arith.constant 0 : index
    %swap3A_10 = arith.constant 0 : index
    %swap3A_11 = vector.load %arg4[%swap3A, %swap3A_10] : memref<16000x128xf32, #tpu.memory_space<vmem>>, vector<16000x128xf32>
    tpu.vector_store %arg4[%swap3A, %swap3A_10], %add3A_9 {strides = array<i32>} : memref<16000x128xf32, #tpu.memory_space<vmem>>, vector<16000x128xf32>,
    return
  }
  func.func @transform_0(%arg0: i32) -> (i32, i32) {
    %c0_i32 = arith.constant 0 : i32
    %c0_i32_0 = arith.constant 0 : i32
    return %c0_i32, %arg0 : i32, i32
  }
  func.func @transform_1(%arg0: i32) -> (i32, i32) {
    %c0_i32 = arith.constant 0 : i32
    %c0_i32_0 = arith.constant 0 : i32
    %c0_i32_1 = arith.constant 0 : i32
    return %c0_i32, %c0_i32_0 : i32, i32
  }
  func.func @transform_2(%arg0: i32) -> (i32, i32) {
    %c0_i32 = arith.constant 0 : i32
    %c0_i32_0 = arith.constant 0 : i32
    %c0_i32_1 = arith.constant 0 : i32
    return %c0_i32, %c0_i32_0 : i32, i32
  }
  func.func @transform_3(%arg0: i32) -> (i32, i32) {
    %c0_i32 = arith.constant 0 : i32
    %c0_i32_0 = arith.constant 0 : i32
    return %arg0, %c0_i32 : i32, i32
  }
}

</mosaic_0001>

<sc_bundles>
// kernel: kernel.5.cloned.1.call-start
scs
__scs_entry_jumppad:
0x0: {  	(pc) =	sbr.rel $0x88, $3  }
0x1: {  	(tag) =	ssettag $0x0;
	lr =	simm.s32 $0x1  }
0x2: {  	[smem:$0x3F9C] =	sst lr;
	_ =	strace $0xD0000000  }
0x3: {  	_ = 	snop  }
0x4: {  	_ = 	snop  }
0x5: {  	_ = 	snop  }
0x6: {  	_ = 	snop  }
0x7: {  	_ = 	snop  }
__scs_overlays_trampoline_lowered:
0x8: {  	[smem:$0x3FAB] =	sst s0  }
0x9: {  	[smem:$0x3FAC] =	sst s1  }
0xa: {  	[smem:$0x3FAD] =	sst s2  }
0xb: {  	[smem:$0x3FAE] =	sst s3  }
0xc: {  	[smem:$0x3FAF] =	sst s4  }
0xd: {  	[smem:$0x3FB0] =	sst s5  }
0xe: {  	[smem:$0x3FB1] =	sst s6  }
0xf: {  	[smem:$0x3FB2] =	sst s7  }
0x10: {  	[smem:$0x3FB3] =	sst s8  }
0x11: {  	[smem:$0x3FB4] =	sst s9;
	s0 =	simm.s32 @!p0 $0x0  }
0x12: {  	s1 =	sld [smem:$0x3F9A];
	s0 =	simm.s32 @p0 $0x1  }
0x13: {  	[smem:$0x3FB5] =	sst s0;
	s0 =	simm.s32 @!p1 $0x0  }
0x14: {  	s2 =	sld [smem:$0x3F99];
	s0 =	simm.s32 @p1 $0x1  }
0x15: {  	[smem:$0x3FB6] =	sst s0;
	s0 =	simm.s32 @!p2 $0x0  }
0x16: {  	s3 =	sld [smem:$0x3FDB];
	s0 =	simm.s32 @p2 $0x1  }
0x17: {  	s4 =	simm.s32 $0x1BF5;
	[smem:$0x3FB8] =	sst s0  }
0x18: {  	s0 =	sld [smem:$0x3F9B];
	_ =	swait.ge [sflag:s4], $0x0  }
0x19: {  	s7 =	sld [smem:$0x3F9C]  }
0x1a: {  	s8 =	sadd.s32 $0xFFFFE003, lr  }
0x1b: {  	s9 =	sadd.s32 $0xFFFFFEF7, lr;
	s5 =	simm.s32 $0xFFFFFFFF;
	p2 =	slt.u32 s8, $0xFFFFF086  }
0x1c: {  	p1 =	slt.u32 s9, $0xF7A;
	s5 =	simm.s32 @!p2 $0x0  }
0x1d: {  	s5 =	simm.s32 @p1 $0x1;
	p0 =	seq.s32 s7, s2  }
0x1e: {  	s7 =	smul.u32 @!p0 $0xF7A, s2;
	p2 =	seq.s32 @!p0 s5, $0x0  }
0x1f: {  	s9 =	smul.u32 $0xF7A, s1;
	s8 =	simm.s32 @!p0 $0x1BF5;
	p2 =	por !p2, p0  }
0x20: {  	[sflag:s8] =	ssyncset.s32 @!p0 $0xFFFFF086;
	s6 =	sadd.s32 @!p0 s3, s7;
	s7 =	simm.s32 @!p0 $0x108  }
0x21: {  	s3 =	sadd.s32 s3, s9;
	s6 =	sadd.s32 @!p0 $0x88, s6;
	s7 =	simm.s32 @p2 $0x1082  }
0x22: {  	[simem:s7], [sflag:s8] =	dma.local @!p0 [hbm:s6], $0xF7A  }
0x23: {  	s9 =	sor.u32 $0xD0000000, s2;
	s6 =	simm.s32 $0x108;
	_ =	swait.ge @!p0 [sflag:s8], $0x0  }
0x24: {  	s3 =	sadd.s32 $0x88, s3;
	s6 =	simm.s32 @!p1 $0x1082;
	[sflag:s4] =	ssyncset.s32 $0xFFFFF086  }
0x25: {  	[simem:s6], [sflag:s4] =	dma.local [hbm:s3], $0xF7A  }
0x26: {  	[smem:$0x3F9C] =	sst s1;
	(tag) =	ssettag s2;
	_ =	strace s9  }
0x27: {  	s1 =	sld [smem:$0x3FAC]  }
0x28: {  	s2 =	sld [smem:$0x3FAD]  }
0x29: {  	s4 =	sld [smem:$0x3FAF]  }
0x2a: {  	p0 =	seq.s32 s5, $0x0;
	s5 =	sld [smem:$0x3FB0]  }
0x2b: {  	s6 =	sld [smem:$0x3FB1]  }
0x2c: {  	s7 =	sld [smem:$0x3FB2]  }
0x2d: {  	s3 =	simm.s32 $0x108;
	s8 =	sld [smem:$0x3FB3]  }
0x2e: {  	s3 =	simm.s32 @!p0 $0x1082;
	s9 =	sld [smem:$0x3FB4]  }
0x2f: {  	lr =	sadd.s32 s0, s3;
	s0 =	sld [smem:$0x3FAB]  }
0x30: {  	s3 =	sld [smem:$0x3FAE]  }
0x31: {  	[smem:$0x3FB7] =	sst s10  }
0x32: {  	s10 =	sld [smem:$0x3FB5];
	_ =	sdelay $0x3  }
0x33: {  	p0 =	seq.s32 s10, $0x1;
	s10 =	sld [smem:$0x3FB7];
	_ =	sdelay $0x3  }
0x34: {  	[smem:$0x3FB7] =	sst s10  }
0x35: {  	s10 =	sld [smem:$0x3FB6];
	_ =	sdelay $0x3  }
0x36: {  	p1 =	seq.s32 s10, $0x1;
	s10 =	sld [smem:$0x3FB7];
	_ =	sdelay $0x3  }
0x37: {  	[smem:$0x3FB7] =	sst s10  }
0x38: {  	s10 =	sld [smem:$0x3FB8]  }
0x39: {  	_ = 	snop;
	(pc) =	sbr.ind lr, $3  }
0x3a: {  	_ = 	snop  }
0x3b: {  	_ = 	snop  }
0x3c: {  	p2 =	seq.s32 s10, $0x1;
	s10 =	sld [smem:$0x3FB7]  }
0x3d: {  	_ =	shalt  }
0x3e: {  	_ =	shalt  }
0x3f: {  	_ =	shalt  }
0x40: {  	_ =	shalt  }
0x41: {  	_ =	shalt  }
0x42: {  	_ =	shalt  }
0x43: {  	_ =	shalt  }
0x44: {  	_ =	shalt  }
0x45: {  	_ =	shalt  }
0x46: {  	_ =	shalt  }
0x47: {  	_ =	shalt  }
0x48: {  	_ =	shalt  }
0x49: {  	_ =	shalt  }
0x4a: {  	_ =	shalt  }
0x4b: {  	_ =	shalt  }
0x4c: {  	_ =	shalt  }
0x4d: {  	_ =	shalt  }
0x4e: {  	_ =	shalt  }
0x4f: {  	_ =	shalt  }
0x50: {  	_ =	shalt  }
0x51: {  	_ =	shalt  }
0x52: {  	_ =	shalt  }
0x53: {  	_ =	shalt  }
0x54: {  	_ =	shalt  }
0x55: {  	_ =	shalt  }
0x56: {  	_ =	shalt  }
0x57: {  	_ =	shalt  }
0x58: {  	_ =	shalt  }
0x59: {  	_ =	shalt  }
0x5a: {  	_ =	shalt  }
0x5b: {  	_ =	shalt  }
0x5c: {  	_ =	shalt  }
0x5d: {  	_ =	shalt  }
0x5e: {  	_ =	shalt  }
0x5f: {  	_ =	shalt  }
0x60: {  	_ =	shalt  }
0x61: {  	_ =	shalt  }
0x62: {  	_ =	shalt  }
0x63: {  	_ =	shalt  }
0x64: {  	_ =	shalt  }
0x65: {  	_ =	shalt  }
0x66: {  	_ =	shalt  }
0x67: {  	_ =	shalt  }
0x68: {  	_ =	shalt  }
0x69: {  	_ =	shalt  }
0x6a: {  	_ =	shalt  }
0x6b: {  	_ =	shalt  }
0x6c: {  	_ =	shalt  }
0x6d: {  	_ =	shalt  }
0x6e: {  	_ =	shalt  }
0x6f: {  	_ =	shalt  }
0x70: {  	_ =	shalt  }
0x71: {  	_ =	shalt  }
0x72: {  	_ =	shalt  }
0x73: {  	_ =	shalt  }
0x74: {  	_ =	shalt  }
0x75: {  	_ =	shalt  }
0x76: {  	_ =	shalt  }
0x77: {  	_ =	shalt  }
0x78: {  	_ =	shalt  }
0x79: {  	_ =	shalt  }
0x7a: {  	_ =	shalt  }
0x7b: {  	_ =	shalt  }
0x7c: {  	_ =	shalt  }
0x7d: {  	_ =	shalt  }
0x7e: {  	_ =	shalt  }
0x7f: {  	_ =	shalt  }
0x80: {  	_ =	shalt  }
0x81: {  	_ =	shalt  }
0x82: {  	_ =	shalt  }
0x83: {  	_ =	shalt  }
0x84: {  	_ =	shalt  }
0x85: {  	_ =	shalt  }
0x86: {  	_ =	shalt  }
0x87: {  	_ =	shalt  }
.Lfunc_end0:
.L_simem_size_0:
called_computation_lowered:
.L_overlay_start_0:
0x88: {  	s2 =	sld [smem:$0x3FD9]  }
0x89: {  	s3 =	sld [smem:$0x3FFE];
	_ =	sdelay $0x1  }
0x8a: {  	s1 =	srdreg.scid  }
0x8b: {  	s0 =	sand.u32 $0x1, s1  }
0x8c: {  	s17 =	sshll.u32 s0, $0xA;
	s2 =	sadd.s32 s3, s2  }
0x8d: {  	s2 =	sadd.s32 s2, s17  }
0x8e: {  	[smem:$0x3FC3] =	sst s2  }
0x8f: {  	_ = 	snop  }
0x90: {  	s2 =	sld [smem:$0x3FD0];
	(tm) =	ssettm $0x1  }
0x91: {  	s18 =	sld [smem:$0x3FFB];
	_ =	sdelay $0x3  }
0x92: {  	_ =	strace s18  }
0x93: {  	s3 =	sld [smem:$0x3FFC];
	_ =	sdelay $0x3  }
0x94: {  	_ =	strace s3  }
0x95: {  	s3 =	sld [smem:$0x3FFD];
	_ =	sdelay $0x3  }
0x96: {  	_ =	strace s3  }
0x97: {  	_ =	strace $0x8FFFFFFF  }
0x98: {  	s19 =	sld [smem:$0x3FDB];
	_ =	sdelay $0x1  }
0x99: {  	s4 =	simm.s32 $_scs_section_size  }
0x9a: {  	s5 =	simm.s32 $_size__tile_overlayer_lowered;
	s6 =	simm.s32 $_tile_overlayer_lowered  }
0x9b: {  	s22 =	simm.s32 $0x1BFF;
	s21 =	sshll.u32 s6, $0x1;
	s3 =	sadd.s32 s4, s19  }
0x9c: {  	s7 =	simm.s32 $0x0;
	s20 =	sshll.u32 s5, $0x1;
	s5 =	sadd.s32 s21, s3  }
0x9d: {  	[timem:s7], [sflag:s22] =	dma.local [hbm:s5], s20  }
0x9e: {  	_ =	swait.ge [sflag:s22], s20  }
0x9f: {  	s4 =	ssub.s32 $0x0, s20;
	[sflag:s22] =	ssyncset.done $0x0  }
0xa0: {  	[sflag:s22] =	ssyncadd.s32 s4;
	_ =	sdelay $0x1  }
0xa1: {  	s23 =	simm.s32 $0x1B8B  }
0xa2: {  	_ =	swait.ge [sflag:s23], $0x1  }
0xa3: {  	[sflag:s23] =	ssyncset.done $0x0  }
0xa4: {  	s25 =	simm.s32 $0x1B8E;
	s24 =	sld [smem:$0x3FFE];
	[sflag:s23] =	ssyncadd.s32 $0xFFFFFFFF  }
0xa5: {  	s26 =	simm.s32 $execute0_lowered;
	[smem:$0x3FD2] =	sst s25  }
0xa6: {  	s5 =	sshll.u32 s26, $0x1;
	_ =	strace $0x80000046;
	[dreg:$0x1] =	wrdreg $0xFFFFFFFF  }
0xa7: {  	s28 =	simm.s32 $_size_execute0_lowered;
	s3 =	sadd.s32 s3, s5;
	[dreg:$0x0] =	wrdreg $0x0  }
0xa8: {  	s5 =	sshll.u32 s28, $0x1;
	[dreg:$0x2] =	wrdreg s3  }
0xa9: {  	[dreg:$0x3] =	wrdreg s5  }
0xaa: {  	[dreg:$0x4] =	wrdreg $0xC0  }
0xab: {  	_ =	task [dreg:s7], $0x5FFFF  }
0xac: {  	[dreg:$0x1] =	wrdreg $0xFFFFFFFF  }
0xad: {  	[dreg:$0x0] =	wrdreg $0x60  }
0xae: {  	[dreg:$0x2] =	wrdreg s24  }
0xaf: {  	[dreg:$0x3] =	wrdreg s2  }
0xb0: {  	[dreg:$0x4] =	wrdreg $0x9  }
0xb1: {  	_ =	task.clear_ibuf [dreg:s7], $0x5FFFF;
	_ =	strace $0x90000046  }
0xb2: {  	s29 =	simm.s32 $0x9;
	_ =	strace $0x80000048  }
0xb3: {  	_ =	swait.ge [sflag:s29], $0x1  }
0xb4: {  	[sflag:s29] =	ssyncadd.s32 $0xFFFFFFFF  }
0xb5: {  	_ =	strace $0x90000048  }
0xb6: {  	_ =	sfence  }
0xb7: {  	s30 =	sld [smem:$0x0];
	_ =	sdelay $0x2  }
0xb8: {  	s31 =	sshll.u32 s1, $0xD;
	s1 =	sshrl.u32 s1, $0x2  }
0xb9: {  	s3 =	sand.u32 $0x4000, s31;
	s1 =	sadd.s32 s1, s30  }
0xba: {  	s0 =	sor.u32 s3, s0;
	s1 =	sshll.u32 s1, $0x11  }
0xbb: {  	s0 =	sor.u32 s1, s0  }
0xbc: {  	s0 =	sadd.s32 $0x8F2B, s0  }
0xbd: {  	[sflag:s0] =	ssyncadd.remote.s32 $0x1  }
0xbe: {  	_ =	sfence.sel $0xFFFF  }
0xbf: {  	[dreg:$0x0] =	wrdreg $0xFFFFFFFF;
	(pc) =	sbr.abs _section_cstart, $3  }
0xc0: {  	[dreg:$0x1] =	wrdreg $0xFFFFFFFF  }
0xc1: {  	_ =	task.clear_ibuf [dreg:s7], $0x2FFFF;
	_ =	strace $0x9FFFFFFF  }
0xc2: {  	(tm) =	ssettm $0x7FFFFFFF  }
0xc3: {  	_ =	shalt  }
tec
execute0_lowered:
.L_overlay_start_1:
0x0: {  	(tag) =	ssettag $0x1  }
0x1: {  	s0 =	rddreg [dreg:$0x0]  }
0x2: {  	s1 =	rddreg [dreg:$0x1];
	s2 =	simm.s32 $0x0;
	s3 =	srdreg.scid  }
0x3: {  	s13 =	stileid.u32;
	s28 =	simm.s32 $0x8300;
	s29 =	simm.s32 $0x5  }
0x4: {  	s30 =	simm.s32 $0x2;
	s31 =	simm.s32 $0x3;
	[smem:$0x7FF] =	sst s2  }
0x5: {  	s7 =	sand.u32 $0x1, s3;
	s18 =	sshll.u32 s13, $0x1;
	s3 =	sadd.s32 $0xA800, s0  }
0x6: {  	s4 =	sadd.s32 $0xA00, s0;
	s5 =	sadd.s32 $0x14600, s0;
	s21 =	smul.u32 $0x4E200, s13  }
0x7: {  	s6 =	sadd.s32 $0x3B800, s0;
	s0 =	sadd.s32 $0x62A00, s0;
	s23 =	smul.u32 $0x4E20, s13  }
0x8: {  	s13 =	simm.s32 $0x0;
	s8 =	sor.u32 s7, s18;
	s25 =	smul.u32 $0x2710, s7  }
0x9: {  	_ =	strace $0x80000047;
	s10 =	ssub.s32 $0x2, s7;
	s9 =	smul.u32 $0x2710, s8  }
0xa: {  	s8 =	smul.u32 $0x27100, s8;
	s14 =	sadd.s32 s25, s23;
	s23 =	simm.s32 $0xC380  }
0xb: {  	s11 =	sshrl.u32 s10, $0x1;
	s25 =	simm.s32 $0xC400;
	[dreg:$0x7] =	wrdreg s23  }
0xc: {  	s10 =	ssub.s32 s10, s11;
	s8 =	sadd.s32 s0, s8;
	[dreg:$0x9] =	wrdreg s25  }
0xd: {  	s12 =	sshrl.u32 s9, $0x3;
	s15 =	smax.u32 s10, $0x1;
	[dreg:$0xd] =	wrdreg s8  }
0xe: {  	s9 =	sadd.s32 $0x2700, s9;
	s19 =	sadd.s32 s3, s12;
	[dreg:$0x12] =	wrdreg s15  }
0xf: {  	s20 =	sadd.s32 s4, s12;
	s22 =	sshrl.u32 s9, $0x3;
	[dreg:$0xb] =	wrdreg s19  }
0x10: {  	s7 =	smul.u32 $0x27100, s7;
	[dreg:$0xc] =	wrdreg s20;
	s24 =	sadd.s32 s3, s22  }
0x11: {  	s9 =	sshll.u32 s9, $0x4;
	s8 =	sadd.s32 s4, s22;
	[dreg:$0xe] =	wrdreg s24  }
0x12: {  	s16 =	sadd.s32 $0x180, s14;
	s26 =	sadd.s32 s0, s9;
	[dreg:$0xf] =	wrdreg s8  }
0x13: {  	s17 =	sshrl.u32 s16, $0x3;
	s9 =	sadd.s32 s1, s9;
	[dreg:$0x10] =	wrdreg s26  }
0x14: {  	s23 =	simm.s32 $0xC480;
	s18 =	sadd.s32 s17, s4;
	[dreg:$0x11] =	wrdreg s9  }
0x15: {  	s1 =	sadd.s32 s21, s1;
	s19 =	simm.s32 $0x200;
	[dreg:$0x13] =	wrdreg s18  }
0x16: {  	s0 =	sadd.s32 s21, s0;
	s21 =	sadd.s32 $0x300, s14;
	[dreg:$0x4] =	wrdreg s19  }
0x17: {  	s25 =	simm.s32 $0x80;
	s20 =	simm.s32 $0x100;
	[dreg:$0x15] =	wrdreg s21  }
0x18: {  	s22 =	simm.s32 $0x280;
	s1 =	sadd.s32 s7, s1;
	[dreg:$0x5] =	wrdreg s20  }
0x19: {  	s15 =	sadd.s32 s7, s0;
	s19 =	simm.s32 $0x180;
	[dreg:$0x6] =	wrdreg s22  }
0x1a: {  	s20 =	simm.s32 $0x300;
	s24 =	simm.s32 $0xC500;
	s21 =	simm.s32 $0x1  }
0x1b: {  	s22 =	simm.s32 $0xC300;
	s26 =	simm.s32 $0xC580;
	[dreg:$0x3] =	wrdreg s1  }
0x1c: {  	s0 =	simm.s32 $0x10600;
	s9 =	simm.s32 $0x6;
	[dreg:$0x8] =	wrdreg s24  }
0x1d: {  	s1 =	sadd.s32 s17, s3;
	s24 =	simm.s32 $0xC600;
	[dreg:$0xa] =	wrdreg s26  }
0x1e: {  	s26 =	simm.s32 $0x4300;
	[dreg:$0x14] =	wrdreg s1;
	s1 =	simm.s32 $0x14600  }
.LBB2_1:
0x1f: {  	s7 =	rddreg [dreg:$0xb]  }
0x20: {  	[tilespmem:s2], [sflag:$0x1] =	stream.linear.gather [hbm4b:s7+s2], $0x180, $0x38;
	[tilespmem:$0x18F00] =	vst v63  }
0x21: {  	s11 =	rddreg [dreg:$0xc]  }
0x22: {  	[tilespmem:s19], [sflag:$0x1] =	stream.linear.gather [hbm4b:s11+s2], $0x180, $0x38;
	[tilespmem:$0x18F00] =	vst v63  }
0x23: {  	s12 =	rddreg [dreg:$0xd]  }
0x24: {  	[tilespmem:s20], [sflag:$0x1] =	stream.linear.gather [hbm4b:s12+s2], $0xC000, $0x38;
	[tilespmem:$0x18F00] =	vst v63  }
0x25: {  	_ =	swait.ge [sflag:s21], $0x180  }
0x26: {  	[sflag:s21] =	ssyncset.done $0x0  }
0x27: {  	[sflag:s21] =	ssyncadd.s32 $0xFFFFFE80  }
0x28: {  	_ =	swait.ge [sflag:s21], $0x180  }
0x29: {  	[sflag:s21] =	ssyncset.done $0x0  }
0x2a: {  	[sflag:s21] =	ssyncadd.s32 $0xFFFFFE80  }
0x2b: {  	_ =	swait.ge [sflag:s21], $0xC000  }
0x2c: {  	p0 =	por $0x1, $0x1;
	[sflag:s21] =	ssyncset.done $0x0  }
0x2d: {  	s7 =	simm.s32 @!p0 $0x4;
	[sflag:s21] =	ssyncadd.s32 $0xFFFF4000  }
0x2e: {  	_ =	swait.ge @!p0 [sflag:s7], $0xC000  }
0x2f: {  	[sflag:s7] =	ssyncset.done @!p0 $0x0  }
0x30: {  	s16 =	rddreg [dreg:$0x14];
	[sflag:s7] =	ssyncadd.s32 @!p0 $0xFFFF4000  }
0x31: {  	[tilespmem:s22], [sflag:$0x2] =	stream.linear.gather [hbm4b:s16+s2], $0x180, $0x38;
	[tilespmem:$0x18F00] =	vst v63  }
0x32: {  	s14 =	sadd.s32 $0x0, s15;
	s11 =	rddreg [dreg:$0x13]  }
0x33: {  	[tilespmem:s23], [sflag:$0x2] =	stream.linear.gather [hbm4b:s11+s2], $0x180, $0x38;
	[tilespmem:$0x18F00] =	vst v63  }
0x34: {  	s7 =	sadd.s32 $0x1800, s14  }
0x35: {  	[tilespmem:s24], [sflag:$0x2] =	stream.linear.gather [hbm4b:s7+s2], $0xC000, $0x38;
	[tilespmem:$0x18F00] =	vst v63  }
0x36: {  	_ = 	snop  }
0x37: {  	[tilespmem:s20], [sflag:$0x5] =	stream.indirect.gather.add.f32 [hbm:s5], $0x80, s2, s25, $0xb8;
	[tilespmem:$0x18F00] =	vst v63  }
0x38: {  	_ = 	snop  }
0x39: {  	[tilespmem:s20], [sflag:$0x5] =	stream.indirect.gather.add.f32 [hbm:s6], $0x80, s19, s25, $0xb8;
	[tilespmem:$0x18F00] =	vst v63  }
0x3a: {  	_ = 	snop  }
0x3b: {  	[tilespmem:s26], [sflag:$0x5] =	stream.indirect.gather.add.f32 [hbm:s5], $0x80, s25, s25, $0xb8;
	[tilespmem:$0x18F00] =	vst v63  }
0x3c: {  	s17 =	rddreg [dreg:$0x4]  }
0x3d: {  	[tilespmem:s26], [sflag:$0x5] =	stream.indirect.gather.add.f32 [hbm:s6], $0x80, s17, s25, $0xb8;
	[tilespmem:$0x18F00] =	vst v63  }
0x3e: {  	s8 =	rddreg [dreg:$0x5]  }
0x3f: {  	[tilespmem:s28], [sflag:$0x5] =	stream.indirect.gather.add.f32 [hbm:s5], $0x80, s8, s25, $0xb8;
	[tilespmem:$0x18F00] =	vst v63  }
0x40: {  	s18 =	rddreg [dreg:$0x6]  }
0x41: {  	[tilespmem:s28], [sflag:$0x5] =	stream.indirect.gather.add.f32 [hbm:s6], $0x80, s18, s25, $0xb8;
	[tilespmem:$0x18F00] =	vst v63  }
0x42: {  	_ =	swait.ge [sflag:s29], $0x4000  }
0x43: {  	[sflag:s29] =	ssyncset.done $0x0  }
0x44: {  	[sflag:s29] =	ssyncadd.s32 $0xFFFFC000  }
0x45: {  	_ =	swait.ge [sflag:s29], $0x4000  }
0x46: {  	[sflag:s29] =	ssyncset.done $0x0  }
0x47: {  	[sflag:s29] =	ssyncadd.s32 $0xFFFFC000  }
0x48: {  	_ =	swait.ge [sflag:s29], $0x4000  }
0x49: {  	[sflag:s29] =	ssyncset.done $0x0  }
0x4a: {  	[sflag:s29] =	ssyncadd.s32 $0xFFFFC000  }
0x4b: {  	_ =	swait.ge [sflag:s29], $0x4000  }
0x4c: {  	[sflag:s29] =	ssyncset.done $0x0  }
0x4d: {  	[sflag:s29] =	ssyncadd.s32 $0xFFFFC000  }
0x4e: {  	_ =	swait.ge [sflag:s29], $0x4000  }
0x4f: {  	[sflag:s29] =	ssyncset.done $0x0  }
0x50: {  	[sflag:s29] =	ssyncadd.s32 $0xFFFFC000  }
0x51: {  	_ =	swait.ge [sflag:s29], $0x4000  }
0x52: {  	s8 =	rddreg [dreg:$0x3];
	[sflag:s29] =	ssyncset.done $0x0  }
0x53: {  	[sflag:s29] =	ssyncadd.s32 $0xFFFFC000;
	s7 =	sadd.s32 $0x0, s8  }
0x54: {  	[hbm4b:s7+s2] =	stream.linear.scatter [tilespmem:s20], [sflag:$0x3], $0xC000, $0x38;
	[tilespmem:$0x18F00] =	vst v63  }
0x55: {  	_ =	swait.ge [sflag:s30], $0x180  }
0x56: {  	[sflag:s30] =	ssyncset.done $0x0  }
0x57: {  	[sflag:s30] =	ssyncadd.s32 $0xFFFFFE80  }
0x58: {  	_ =	swait.ge [sflag:s30], $0x180  }
0x59: {  	[sflag:s30] =	ssyncset.done $0x0  }
0x5a: {  	[sflag:s30] =	ssyncadd.s32 $0xFFFFFE80  }
0x5b: {  	_ =	swait.ge [sflag:s30], $0xC000  }
0x5c: {  	[sflag:s30] =	ssyncset.done $0x0  }
0x5d: {  	[sflag:s30] =	ssyncadd.s32 $0xFFFF4000  }
0x5e: {  	_ =	swait.ge [sflag:s31], $0xC000  }
0x5f: {  	p0 =	por $0x0, $0x0;
	s17 =	rddreg [dreg:$0x15]  }
0x60: {  	[sflag:s31] =	ssyncset.done $0x0;
	s8 =	sshrl.u32 @!p0 s17, $0x3  }
0x61: {  	s12 =	simm.s32 @!p0 $0x0;
	[sflag:s31] =	ssyncadd.s32 $0xFFFF4000;
	s10 =	sadd.s32 @!p0 s3, s8  }
0x62: {  	[tilespmem:s12], [sflag:$0x1] =	stream.linear.gather @!p0 [hbm4b:s10+s12], $0x180, $0x38;
	[tilespmem:$0x18F00] =	vst v63  }
0x63: {  	s14 =	simm.s32 @!p0 $0x180;
	s8 =	sadd.s32 @!p0 s4, s8;
	s10 =	sadd.s32 @!p0 $0x0, s15  }
0x64: {  	[tilespmem:s14], [sflag:$0x1] =	stream.linear.gather @!p0 [hbm4b:s8+s12], $0x180, $0x38;
	[tilespmem:$0x18F00] =	vst v63  }
0x65: {  	s8 =	sadd.s32 @!p0 $0x3000, s10;
	s10 =	simm.s32 @!p0 $0x300  }
0x66: {  	[tilespmem:s10], [sflag:$0x1] =	stream.linear.gather @!p0 [hbm4b:s8+s12], $0xC000, $0x38;
	[tilespmem:$0x18F00] =	vst v63  }
0x67: {  	_ = 	snop  }
0x68: {  	[tilespmem:s24], [sflag:$0x5] =	stream.indirect.gather.add.f32 [hbm:s5], $0x80, s22, s25, $0xb8;
	[tilespmem:$0x18F00] =	vst v63  }
0x69: {  	_ = 	snop  }
0x6a: {  	[tilespmem:s24], [sflag:$0x5] =	stream.indirect.gather.add.f32 [hbm:s6], $0x80, s23, s25, $0xb8;
	[tilespmem:$0x18F00] =	vst v63  }
0x6b: {  	s10 =	rddreg [dreg:$0x7]  }
0x6c: {  	[tilespmem:s0], [sflag:$0x5] =	stream.indirect.gather.add.f32 [hbm:s5], $0x80, s10, s25, $0xb8;
	[tilespmem:$0x18F00] =	vst v63  }
0x6d: {  	s12 =	rddreg [dreg:$0x8]  }
0x6e: {  	[tilespmem:s0], [sflag:$0x5] =	stream.indirect.gather.add.f32 [hbm:s6], $0x80, s12, s25, $0xb8;
	[tilespmem:$0x18F00] =	vst v63  }
0x6f: {  	s14 =	rddreg [dreg:$0x9]  }
0x70: {  	[tilespmem:s1], [sflag:$0x5] =	stream.indirect.gather.add.f32 [hbm:s5], $0x80, s14, s25, $0xb8;
	[tilespmem:$0x18F00] =	vst v63  }
0x71: {  	s18 =	rddreg [dreg:$0xa]  }
0x72: {  	[tilespmem:s1], [sflag:$0x5] =	stream.indirect.gather.add.f32 [hbm:s6], $0x80, s18, s25, $0xb8;
	[tilespmem:$0x18F00] =	vst v63  }
0x73: {  	_ =	swait.ge [sflag:s29], $0x4000  }
0x74: {  	[sflag:s29] =	ssyncset.done $0x0  }
0x75: {  	[sflag:s29] =	ssyncadd.s32 $0xFFFFC000  }
0x76: {  	_ =	swait.ge [sflag:s29], $0x4000  }
0x77: {  	[sflag:s29] =	ssyncset.done $0x0  }
0x78: {  	[sflag:s29] =	ssyncadd.s32 $0xFFFFC000  }
0x79: {  	_ =	swait.ge [sflag:s29], $0x4000  }
0x7a: {  	[sflag:s29] =	ssyncset.done $0x0  }
0x7b: {  	[sflag:s29] =	ssyncadd.s32 $0xFFFFC000  }
0x7c: {  	_ =	swait.ge [sflag:s29], $0x4000  }
0x7d: {  	[sflag:s29] =	ssyncset.done $0x0  }
0x7e: {  	[sflag:s29] =	ssyncadd.s32 $0xFFFFC000  }
0x7f: {  	_ =	swait.ge [sflag:s29], $0x4000  }
0x80: {  	[sflag:s29] =	ssyncset.done $0x0  }
0x81: {  	[sflag:s29] =	ssyncadd.s32 $0xFFFFC000  }
0x82: {  	s7 =	sadd.s32 $0x1800, s7;
	_ =	swait.ge [sflag:s29], $0x4000  }
0x83: {  	s8 =	sadd.s32 $0x60, s16;
	s10 =	sadd.s32 $0x300, s17;
	[sflag:s29] =	ssyncset.done $0x0  }
0x84: {  	s12 =	sadd.s32 $0x60, s11;
	s14 =	simm.s32 $0x3000;
	[sflag:s29] =	ssyncadd.s32 $0xFFFFC000  }
.LBB2_2:
0x85: {  	[hbm4b:s7+s2] =	stream.linear.scatter [tilespmem:s24], [sflag:$0x4], $0xC000, $0x38;
	[tilespmem:$0x18F00] =	vst v63  }
0x86: {  	_ =	swait.ge [sflag:s21], $0x180  }
0x87: {  	[sflag:s21] =	ssyncset.done $0x0  }
0x88: {  	[sflag:s21] =	ssyncadd.s32 $0xFFFFFE80  }
0x89: {  	_ =	swait.ge [sflag:s21], $0x180  }
0x8a: {  	[sflag:s21] =	ssyncset.done $0x0  }
0x8b: {  	[sflag:s21] =	ssyncadd.s32 $0xFFFFFE80  }
0x8c: {  	s7 =	smov.u32 s14;
	_ =	swait.ge [sflag:s21], $0xC000  }
0x8d: {  	p1 =	seq.s32 s7, $0x0;
	[sflag:s21] =	ssyncset.done $0x0  }
0x8e: {  	s16 =	simm.s32 @!p1 $0x4;
	[sflag:s21] =	ssyncadd.s32 $0xFFFF4000  }
0x8f: {  	_ =	swait.ge @!p1 [sflag:s16], $0xC000  }
0x90: {  	[sflag:s16] =	ssyncset.done @!p1 $0x0  }
0x91: {  	[sflag:s16] =	ssyncadd.s32 @!p1 $0xFFFF4000  }
0x92: {  	[tilespmem:s22], [sflag:$0x2] =	stream.linear.gather [hbm4b:s8+s2], $0x180, $0x38;
	[tilespmem:$0x18F00] =	vst v63  }
0x93: {  	s18 =	sadd.s32 s7, s15  }
0x94: {  	[tilespmem:s23], [sflag:$0x2] =	stream.linear.gather [hbm4b:s12+s2], $0x180, $0x38;
	[tilespmem:$0x18F00] =	vst v63  }
0x95: {  	s16 =	sadd.s32 $0x1800, s18  }
0x96: {  	[tilespmem:s24], [sflag:$0x2] =	stream.linear.gather [hbm4b:s16+s2], $0xC000, $0x38;
	[tilespmem:$0x18F00] =	vst v63  }
0x97: {  	_ = 	snop  }
0x98: {  	[tilespmem:s20], [sflag:$0x5] =	stream.indirect.gather.add.f32 [hbm:s5], $0x80, s2, s25, $0xb8;
	[tilespmem:$0x18F00] =	vst v63  }
0x99: {  	_ = 	snop  }
0x9a: {  	[tilespmem:s20], [sflag:$0x5] =	stream.indirect.gather.add.f32 [hbm:s6], $0x80, s19, s25, $0xb8;
	[tilespmem:$0x18F00] =	vst v63  }
0x9b: {  	_ = 	snop  }
0x9c: {  	[tilespmem:s26], [sflag:$0x5] =	stream.indirect.gather.add.f32 [hbm:s5], $0x80, s25, s25, $0xb8;
	[tilespmem:$0x18F00] =	vst v63  }
0x9d: {  	s11 =	rddreg [dreg:$0x4]  }
0x9e: {  	[tilespmem:s26], [sflag:$0x5] =	stream.indirect.gather.add.f32 [hbm:s6], $0x80, s11, s25, $0xb8;
	[tilespmem:$0x18F00] =	vst v63  }
0x9f: {  	s17 =	rddreg [dreg:$0x5]  }
0xa0: {  	[tilespmem:s28], [sflag:$0x5] =	stream.indirect.gather.add.f32 [hbm:s5], $0x80, s17, s25, $0xb8;
	[tilespmem:$0x18F00] =	vst v63  }
0xa1: {  	s18 =	rddreg [dreg:$0x6]  }
0xa2: {  	[tilespmem:s28], [sflag:$0x5] =	stream.indirect.gather.add.f32 [hbm:s6], $0x80, s18, s25, $0xb8;
	[tilespmem:$0x18F00] =	vst v63  }
0xa3: {  	_ =	swait.ge [sflag:s29], $0x4000  }
0xa4: {  	[sflag:s29] =	ssyncset.done $0x0  }
0xa5: {  	[sflag:s29] =	ssyncadd.s32 $0xFFFFC000  }
0xa6: {  	_ =	swait.ge [sflag:s29], $0x4000  }
0xa7: {  	[sflag:s29] =	ssyncset.done $0x0  }
0xa8: {  	[sflag:s29] =	ssyncadd.s32 $0xFFFFC000  }
0xa9: {  	_ =	swait.ge [sflag:s29], $0x4000  }
0xaa: {  	[sflag:s29] =	ssyncset.done $0x0  }
0xab: {  	[sflag:s29] =	ssyncadd.s32 $0xFFFFC000  }
0xac: {  	_ =	swait.ge [sflag:s29], $0x4000  }
0xad: {  	[sflag:s29] =	ssyncset.done $0x0  }
0xae: {  	[sflag:s29] =	ssyncadd.s32 $0xFFFFC000  }
0xaf: {  	_ =	swait.ge [sflag:s29], $0x4000  }
0xb0: {  	[sflag:s29] =	ssyncset.done $0x0  }
0xb1: {  	[sflag:s29] =	ssyncadd.s32 $0xFFFFC000  }
0xb2: {  	_ =	swait.ge [sflag:s29], $0x4000  }
0xb3: {  	s11 =	rddreg [dreg:$0x3];
	[sflag:s29] =	ssyncset.done $0x0  }
0xb4: {  	[sflag:s29] =	ssyncadd.s32 $0xFFFFC000;
	s16 =	sadd.s32 s7, s11  }
0xb5: {  	[hbm4b:s16+s2] =	stream.linear.scatter [tilespmem:s20], [sflag:$0x3], $0xC000, $0x38;
	[tilespmem:$0x18F00] =	vst v63  }
0xb6: {  	_ =	swait.ge [sflag:s30], $0x180  }
0xb7: {  	[sflag:s30] =	ssyncset.done $0x0  }
0xb8: {  	[sflag:s30] =	ssyncadd.s32 $0xFFFFFE80  }
0xb9: {  	_ =	swait.ge [sflag:s30], $0x180  }
0xba: {  	[sflag:s30] =	ssyncset.done $0x0  }
0xbb: {  	[sflag:s30] =	ssyncadd.s32 $0xFFFFFE80  }
0xbc: {  	_ =	swait.ge [sflag:s30], $0xC000  }
0xbd: {  	[sflag:s30] =	ssyncset.done $0x0  }
0xbe: {  	[sflag:s30] =	ssyncadd.s32 $0xFFFF4000  }
0xbf: {  	p1 =	seq.s32 s7, $0x24000;
	_ =	swait.ge [sflag:s31], $0xC000  }
0xc0: {  	s17 =	sshrl.u32 @!p1 s10, $0x3;
	[sflag:s31] =	ssyncset.done $0x0  }
0xc1: {  	s18 =	sadd.s32 @!p1 s3, s17;
	s11 =	simm.s32 @!p1 $0x0;
	[sflag:s31] =	ssyncadd.s32 $0xFFFF4000  }
0xc2: {  	[tilespmem:s11], [sflag:$0x1] =	stream.linear.gather @!p1 [hbm4b:s18+s11], $0x180, $0x38;
	[tilespmem:$0x18F00] =	vst v63  }
0xc3: {  	s17 =	sadd.s32 @!p1 s4, s17;
	s7 =	sadd.s32 @!p1 s7, s15;
	s18 =	simm.s32 @!p1 $0x180  }
0xc4: {  	[tilespmem:s18], [sflag:$0x1] =	stream.linear.gather @!p1 [hbm4b:s17+s11], $0x180, $0x38;
	[tilespmem:$0x18F00] =	vst v63  }
0xc5: {  	s7 =	sadd.s32 @!p1 $0x3000, s7;
	s17 =	simm.s32 @!p1 $0x300  }
0xc6: {  	[tilespmem:s17], [sflag:$0x1] =	stream.linear.gather @!p1 [hbm4b:s7+s11], $0xC000, $0x38;
	[tilespmem:$0x18F00] =	vst v63  }
0xc7: {  	_ = 	snop  }
0xc8: {  	[tilespmem:s24], [sflag:$0x5] =	stream.indirect.gather.add.f32 [hbm:s5], $0x80, s22, s25, $0xb8;
	[tilespmem:$0x18F00] =	vst v63  }
0xc9: {  	_ = 	snop  }
0xca: {  	[tilespmem:s24], [sflag:$0x5] =	stream.indirect.gather.add.f32 [hbm:s6], $0x80, s23, s25, $0xb8;
	[tilespmem:$0x18F00] =	vst v63  }
0xcb: {  	s17 =	rddreg [dreg:$0x7]  }
0xcc: {  	[tilespmem:s0], [sflag:$0x5] =	stream.indirect.gather.add.f32 [hbm:s5], $0x80, s17, s25, $0xb8;
	[tilespmem:$0x18F00] =	vst v63  }
0xcd: {  	s18 =	rddreg [dreg:$0x8]  }
0xce: {  	[tilespmem:s0], [sflag:$0x5] =	stream.indirect.gather.add.f32 [hbm:s6], $0x80, s18, s25, $0xb8;
	[tilespmem:$0x18F00] =	vst v63  }
0xcf: {  	s17 =	rddreg [dreg:$0x9]  }
0xd0: {  	[tilespmem:s1], [sflag:$0x5] =	stream.indirect.gather.add.f32 [hbm:s5], $0x80, s17, s25, $0xb8;
	[tilespmem:$0x18F00] =	vst v63  }
0xd1: {  	s18 =	rddreg [dreg:$0xa]  }
0xd2: {  	[tilespmem:s1], [sflag:$0x5] =	stream.indirect.gather.add.f32 [hbm:s6], $0x80, s18, s25, $0xb8;
	[tilespmem:$0x18F00] =	vst v63  }
0xd3: {  	_ =	swait.ge [sflag:s29], $0x4000  }
0xd4: {  	[sflag:s29] =	ssyncset.done $0x0  }
0xd5: {  	[sflag:s29] =	ssyncadd.s32 $0xFFFFC000  }
0xd6: {  	_ =	swait.ge [sflag:s29], $0x4000  }
0xd7: {  	[sflag:s29] =	ssyncset.done $0x0  }
0xd8: {  	[sflag:s29] =	ssyncadd.s32 $0xFFFFC000  }
0xd9: {  	_ =	swait.ge [sflag:s29], $0x4000  }
0xda: {  	[sflag:s29] =	ssyncset.done $0x0  }
0xdb: {  	[sflag:s29] =	ssyncadd.s32 $0xFFFFC000  }
0xdc: {  	_ =	swait.ge [sflag:s29], $0x4000  }
0xdd: {  	[sflag:s29] =	ssyncset.done $0x0  }
0xde: {  	s14 =	sadd.s32 $0x3000, s14;
	[sflag:s29] =	ssyncadd.s32 $0xFFFFC000  }
0xdf: {  	p0 =	sne.s32 s14, $0x27000;
	_ =	swait.ge [sflag:s29], $0x4000  }
.Ltmp0:
0xe0: {  	[sflag:s29] =	ssyncset.done $0x0;
	(pc) =	sbr.rel @p0 .LBB2_2-.Ltmp0, $4  }
0xe1: {  	[sflag:s29] =	ssyncadd.s32 $0xFFFFC000  }
0xe2: {  	_ =	swait.ge [sflag:s29], $0x4000  }
0xe3: {  	s8 =	sadd.s32 $0x60, s8;
	s12 =	sadd.s32 $0x60, s12;
	[sflag:s29] =	ssyncset.done $0x0  }
0xe4: {  	s10 =	sadd.s32 $0x300, s10;
	s7 =	sadd.s32 $0x1800, s16;
	[sflag:s29] =	ssyncadd.s32 $0xFFFFC000  }
0xe5: {  	[hbm4b:s7+s2] =	stream.linear.scatter [tilespmem:s24], [sflag:$0x4], $0xC000, $0x38;
	[tilespmem:$0x18F00] =	vst v63  }
0xe6: {  	s10 =	simm.s32 $0x4  }
0xe7: {  	_ =	swait.ge [sflag:s10], $0xC000  }
0xe8: {  	[sflag:s10] =	ssyncset.done $0x0  }
0xe9: {  	s8 =	simm.s32 $0x18600;
	s11 =	rddreg [dreg:$0xe];
	[sflag:s10] =	ssyncadd.s32 $0xFFFF4000  }
0xea: {  	[tilespmem:s8], [sflag:$0x6] =	stream.linear.gather [hbm4b:s11+s2], $0x10, $0x38;
	[tilespmem:$0x18F00] =	vst v63  }
0xeb: {  	_ =	swait.ge [sflag:s9], $0x10  }
0xec: {  	[sflag:s9] =	ssyncset.done $0x0  }
0xed: {  	s10 =	simm.s32 $0x18680;
	s12 =	rddreg [dreg:$0xf];
	[sflag:s9] =	ssyncadd.s32 $0xFFFFFFF0  }
0xee: {  	[tilespmem:s10], [sflag:$0x6] =	stream.linear.gather [hbm4b:s12+s2], $0x10, $0x38;
	[tilespmem:$0x18F00] =	vst v63  }
0xef: {  	_ =	swait.ge [sflag:s9], $0x10  }
0xf0: {  	[sflag:s9] =	ssyncset.done $0x0  }
0xf1: {  	s11 =	simm.s32 $0x18700;
	s14 =	rddreg [dreg:$0x10];
	[sflag:s9] =	ssyncadd.s32 $0xFFFFFFF0  }
0xf2: {  	[tilespmem:s11], [sflag:$0x6] =	stream.linear.gather [hbm4b:s14+s2], $0x800, $0x38;
	[tilespmem:$0x18F00] =	vst v63  }
0xf3: {  	_ =	swait.ge [sflag:s9], $0x800  }
0xf4: {  	[sflag:s9] =	ssyncset.done $0x0  }
0xf5: {  	s16 =	simm.s32 $0x10;
	[sflag:s9] =	ssyncadd.s32 $0xFFFFF800  }
0xf6: {  	[tilespmem:s11], [sflag:$0x5] =	stream.indirect.gather.add.f32 [hbm:s5], $0x80, s8, s16, $0xb8;
	[tilespmem:$0x18F00] =	vst v63  }
0xf7: {  	_ = 	snop  }
0xf8: {  	[tilespmem:s11], [sflag:$0x5] =	stream.indirect.gather.add.f32 [hbm:s6], $0x80, s10, s16, $0xb8;
	[tilespmem:$0x18F00] =	vst v63  }
0xf9: {  	_ =	swait.ge [sflag:s29], $0x800  }
0xfa: {  	[sflag:s29] =	ssyncset.done $0x0  }
0xfb: {  	[sflag:s29] =	ssyncadd.s32 $0xFFFFF800  }
0xfc: {  	_ =	swait.ge [sflag:s29], $0x800  }
0xfd: {  	[sflag:s29] =	ssyncset.done $0x0  }
0xfe: {  	s17 =	rddreg [dreg:$0x11];
	[sflag:s29] =	ssyncadd.s32 $0xFFFFF800  }
0xff: {  	[hbm4b:s17+s2] =	stream.linear.scatter [tilespmem:s11], [sflag:$0x6], $0x800, $0x38;
	[tilespmem:$0x18F00] =	vst v63  }
0x100: {  	_ =	swait.ge [sflag:s9], $0x800  }
0x101: {  	s13 =	sadd.s32 $0x1, s13;
	s18 =	rddreg [dreg:$0x12]  }
0x102: {  	p0 =	sne.s32 s13, s18  }
.Ltmp1:
0x103: {  	_ = 	snop;
	(pc) =	sbr.rel @p0 .LBB2_1-.Ltmp1, $3  }
0x104: {  	_ =	sdelay $0x1  }
0x105: {  	[sflag:s9] =	ssyncset.done $0x0  }
0x106: {  	[sflag:s9] =	ssyncadd.s32 $0xFFFFF800  }
0x107: {  	_ =	sfence.sel $0x180000  }
0x108: {  	[bflag:$0x0] =	sbarrier.arrive $0xFFFF  }
0x109: {  	_ =	strace $0x90000047  }
0x10a: {  	s0 =	stileid.u32;
	[bflag:$0x2] =	sbarrier.arrive $0xFFFF  }
0x10b: {  	p0 =	sne.s32 s0, $0x0;
	s0 =	rddreg [dreg:$0x2]  }
0x10c: {  	s0 =	sadd.s32 @!p0 $0x100000, s0  }
0x10d: {  	[sflag:s0] =	ssyncadd.tile.s32 @!p0 $0x1;
	_ =	shalt  }
.Lfunc_end2:
_tile_overlayer_lowered:
.L_overlay_start_2:
0x10e: {  	(tag) =	ssettag $0x2  }
0x10f: {  	s0 =	rddreg [dreg:$0x0];
	s2 =	stileid.u32  }
0x110: {  	s1 =	rddreg [dreg:$0x1];
	p0 =	sne.s32 s2, $0x0  }
0x111: {  	s3 =	rddreg [dreg:$0x2];
	[bflag:$0x3] =	sbarrier.arrive $0xFFFF;
	s2 =	simm.s32 @!p0 $0x1C06  }
0x112: {  	[timem:s3], [sflag:s2] =	dma.local @!p0 [hbm:s0], s1  }
0x113: {  	s0 =	simm.s32 @!p0 $0x6  }
0x114: {  	_ =	swait.ge @!p0 [sflag:s0], s1  }
0x115: {  	s1 =	ssub.s32 @!p0 $0x0, s1;
	[sflag:s0] =	ssyncset.done @!p0 $0x0  }
0x116: {  	[sflag:s0] =	ssyncadd.s32 @!p0 s1  }
0x117: {  	[bflag:$0x3] =	sbarrier.arrive $0xFFFF  }
0x118: {  	_ =	shalt  }

</sc_bundles>
